<compile_context>
chip_gen: v7x
topology: tpu7x:2x2x1
jax: 0.10.2.dev20260603
libtpu: 0.0.44.dev20260713+nightly
codegen_flags: <defaults>
</compile_context>

<pallas_src>
import functools

import numpy as np
import jax
import jax.numpy as jnp
from jax import lax
from jax.experimental import pallas as pl
from jax.experimental.pallas import tpu as pltpu
from jax.experimental.pallas import tpu_sc as plsc

_F32 = jnp.float32
_BIG = np.int32(2**30)
_HI = jax.lax.Precision.HIGHEST
_MED = jax.lax.Precision.HIGH



def _resize_mat(n_in: int, n_out: int) -> np.ndarray:
    scale = n_out / n_in
    sample = (np.arange(n_out, dtype=np.float64) + 0.5) / scale - 0.5
    x = np.abs(sample[:, None] - np.arange(n_in, dtype=np.float64)[None, :])
    w = np.maximum(0.0, 1.0 - x)
    tot = w.sum(axis=1, keepdims=True)
    w = np.where(np.abs(tot) > 1e-12, w / tot, 0.0)
    w *= ((sample >= -0.5) & (sample <= n_in - 0.5))[:, None]
    return w


def _blur_mat(n: int, sigma: float = 4.0) -> np.ndarray:
    radius = int(4 * sigma + 0.5)
    x = np.arange(-radius, radius + 1, dtype=np.float64)
    k = np.exp(-0.5 * (x / sigma) ** 2)
    k = k / k.sum()
    b = np.zeros((n, n), dtype=np.float64)
    for i in range(n):
        for t in range(-radius, radius + 1):
            j = i + t
            if j < 0:
                j = -j
            elif j >= n:
                j = 2 * n - 2 - j
            b[i, j] += k[t + radius]
    return b


_MMAT = np.asarray(_blur_mat(224) @ _resize_mat(28, 224), np.float32)
_MMAT_T = np.ascontiguousarray(_MMAT.T)


def _pick_block(m: int) -> int:
    for b in (2000, 1000, 200, 40, 8):
        if m % b == 0:
            return b
    return m



def _pass1_body(patch_t_ref, pt_hi_ref, pt_lo_ref, lib_ref, minval_ref,
                midx_ref, sidx_ref, sstar_ref, runmin_ref, runidx_ref,
                mm_ref, b2_ref):
    i = pl.program_id(0)
    nb = pl.num_programs(0)
    lib = lib_ref[...]
    pt = patch_t_ref[...]
    bsz = lib.shape[0]
    q = pt.shape[1]

    @pl.when(i == 0)
    def _():
        runmin_ref[...] = jnp.full((1, q), jnp.inf, _F32)
        runidx_ref[...] = jnp.full((1, q), _BIG, jnp.int32)

    d2p = b2_ref[...] - 2.0 * mm_ref[...]
    bmin = jnp.min(d2p, axis=0, keepdims=True)
    ii = jax.lax.broadcasted_iota(jnp.int32, d2p.shape, 0) + (i - 1) * bsz
    bidx = jnp.min(jnp.where(d2p == bmin, ii, _BIG), axis=0, keepdims=True)

    better = (bmin < runmin_ref[...]) & (i > 0)
    runmin_new = jnp.where(better, bmin, runmin_ref[...])
    runidx_new = jnp.where(better, bidx, runidx_ref[...])
    runmin_ref[...] = runmin_new
    runidx_ref[...] = runidx_new

    lib_hi = lib.astype(jnp.bfloat16)
    lib_lo = (lib - lib_hi.astype(_F32)).astype(jnp.bfloat16)
    pt_hi = pt_hi_ref[...]
    pt_lo = pt_lo_ref[...]
    mm_ref[...] = (jnp.dot(lib_hi, pt_hi, preferred_element_type=_F32)
                   + jnp.dot(lib_hi, pt_lo, preferred_element_type=_F32)
                   + jnp.dot(lib_lo, pt_hi, preferred_element_type=_F32))
    b2_ref[...] = jnp.sum(lib * lib, axis=1, keepdims=True)

    @pl.when(i == nb - 1)
    def _():
        a2 = jnp.dot(jnp.ones((1, pt.shape[0]), _F32), pt * pt,
                     preferred_element_type=_F32, precision=_HI)
        mv = jnp.sqrt(jnp.maximum(runmin_new + a2, 1e-12))
        minval_ref[...] = mv
        sstar = jnp.max(mv, axis=1, keepdims=True)
        lane = jax.lax.broadcasted_iota(jnp.int32, (1, q), 1)
        sidx = jnp.min(jnp.where(mv == sstar, lane, _BIG), axis=1, keepdims=True)
        sidx_ref[...] = sidx
        sstar_ref[...] = sstar
        midx_ref[...] = jnp.min(jnp.where(lane == sidx, runidx_new, _BIG),
                                axis=1, keepdims=True)



def _insert3(state, bv, bc):
    v1, c1, v2, c2, v3, c3 = state
    lt1 = bv < v1
    lt2 = bv < v2
    lt3 = bv < v3
    nv1 = jnp.where(lt1, bv, v1)
    nc1 = jnp.where(lt1, bc, c1)
    nv2 = jnp.where(lt1, v1, jnp.where(lt2, bv, v2))
    nc2 = jnp.where(lt1, c1, jnp.where(lt2, bc, c2))
    nv3 = jnp.where(lt2, v2, jnp.where(lt3, bv, v3))
    nc3 = jnp.where(lt2, c2, jnp.where(lt3, bc, c3))
    return nv1, nc1, nv2, nc2, nv3, nc3


def _pass2_body(lib_ref, mq_t_ref, sstar_ref, s_ref, top_ref):
    i = pl.program_id(0)
    nb = pl.num_programs(0)
    lib = lib_ref[...]
    mq = mq_t_ref[...]
    bsz = lib.shape[0]

    ds = lib - mq[0:1, :]
    dt = lib - mq[1:2, :]
    d2s = jnp.sum(ds * ds, axis=1, keepdims=True)
    d2t = jnp.sum(dt * dt, axis=1, keepdims=True)

    @pl.when(i == 0)
    def _():
        top_ref[...] = jnp.full((1, 8), jnp.inf, _F32)

    t = top_ref[...]
    state = (t[:, 0:1], t[:, 1:2], t[:, 2:3], t[:, 3:4], t[:, 4:5], t[:, 5:6])

    ii = jax.lax.broadcasted_iota(jnp.int32, d2s.shape, 0)
    work = d2s
    for _ in range(3):
        bv = jnp.min(work, axis=0, keepdims=True)
        bi = jnp.min(jnp.where(work == bv, ii, _BIG), axis=0, keepdims=True)
        hit = ii == bi
        bc = jnp.min(jnp.where(hit, d2t, jnp.inf), axis=0, keepdims=True)
        state = _insert3(state, bv, bc)
        work = jnp.where(hit, jnp.inf, work)

    v1, c1, v2, c2, v3, c3 = state
    top_ref[...] = jnp.concatenate(
        [v1, c1, v2, c2, v3, c3, jnp.zeros((1, 2), _F32)], axis=1)

    @pl.when(i == nb - 1)
    def _():
        dd = jnp.sqrt(jnp.asarray(float(mq_t_ref.shape[1]), _F32))
        knn2 = jnp.sqrt(jnp.maximum(c2, 0.0))
        knn3 = jnp.sqrt(jnp.maximum(c3, 0.0))
        sstar = sstar_ref[...]
        w = 1.0 - jnp.exp(sstar / dd) / (jnp.exp(knn2 / dd) + jnp.exp(knn3 / dd))
        s_ref[...] = w * sstar



def _pass2_sc(patch_lib, mstar_row):
    m, d = patch_lib.shape
    nc, ns, nl = 2, 16, 16
    nw = nc * ns
    chunk = 200
    ntotal = m // chunk
    per_worker = -(-ntotal // nw)
    assert m % chunk == 0 and chunk % 8 == 0

    mesh = plsc.VectorSubcoreMesh(core_axis_name="c", subcore_axis_name="s")

    @functools.partial(
        pl.kernel,
        mesh=mesh,
        compiler_params=pltpu.CompilerParams(needs_layout_passes=False),
        out_type=[
            jax.ShapeDtypeStruct((nw, nl), _F32),
            jax.ShapeDtypeStruct((nw, nl), jnp.int32),
        ],
        scratch_types=[
            pltpu.VMEM((d,), _F32),
            pltpu.VMEM((chunk, d), _F32),
            pltpu.VMEM((nl,), _F32),
            pltpu.VMEM((nl,), jnp.int32),
        ],
    )
    def sc_k(lib_hbm, ms_hbm, outv_hbm, outi_hbm, mbuf, cbuf, vbuf, ibuf):
        cid = lax.axis_index("c")
        sid = lax.axis_index("s")
        wid = sid * nc + cid
        pltpu.sync_copy(ms_hbm, mbuf)
        mv = tuple(mbuf[pl.ds(k * nl, nl)] for k in range(d // nl))

        def chunk_body(ci, carry):
            gchunk = wid + ci * nw
            valid = gchunk < ntotal
            safe = jnp.minimum(gchunk, ntotal - 1)
            base = safe * chunk
            pltpu.sync_copy(lib_hbm.at[pl.ds(base, chunk)], cbuf)

            def row_body(r, c2):
                v1, v2, v3, i1, i2, i3 = c2
                acc = jnp.zeros((nl,), _F32)
                for k in range(d // nl):
                    x = cbuf[r, pl.ds(k * nl, nl)]
                    dd = x - mv[k]
                    acc = acc + dd * dd
                d2 = plsc.cumsum(acc)[nl - 1]
                gi = base + r
                b1 = d2 < v1
                b2 = d2 < v2
                b3 = d2 < v3
                nv1 = jnp.where(b1, d2, v1)
                ni1 = jnp.where(b1, gi, i1)
                nv2 = jnp.where(b1, v1, jnp.where(b2, d2, v2))
                ni2 = jnp.where(b1, i1, jnp.where(b2, gi, i2))
                nv3 = jnp.where(b2, v2, jnp.where(b3, d2, v3))
                ni3 = jnp.where(b2, i2, jnp.where(b3, gi, i3))
                return nv1, nv2, nv3, ni1, ni2, ni3

            new = lax.fori_loop(0, chunk, row_body, carry)
            return tuple(jnp.where(valid, n, o) for n, o in zip(new, carry))

        big = jnp.float32(3.0e38)
        init = (big, big, big, jnp.int32(0), jnp.int32(0), jnp.int32(0))
        v1, v2, v3, i1, i2, i3 = lax.fori_loop(0, per_worker, chunk_body, init)

        lanes = lax.iota(jnp.int32, nl)
        vbuf[...] = jnp.where(lanes == 0, v1,
                              jnp.where(lanes == 1, v2,
                                        jnp.where(lanes == 2, v3, big)))
        ibuf[...] = jnp.where(lanes == 0, i1,
                              jnp.where(lanes == 1, i2,
                                        jnp.where(lanes == 2, i3, 0)))
        pltpu.sync_copy(vbuf, outv_hbm.at[wid])
        pltpu.sync_copy(ibuf, outi_hbm.at[wid])

    return sc_k(patch_lib, mstar_row)



def _smap_body(sq_ref, m_ref, mt_ref, out_ref):
    tmp = jnp.dot(m_ref[...], sq_ref[...], preferred_element_type=_F32,
                  precision=_HI)
    out_ref[...] = jnp.dot(tmp, mt_ref[...], preferred_element_type=_F32,
                           precision=_HI)



def kernel(patch, patch_lib):
    q, d = patch.shape
    m = patch_lib.shape[0]
    bsz = _pick_block(m)
    nb = m // bsz

    patch_t = patch.T
    pt_hi = patch_t.astype(jnp.bfloat16)
    pt_lo = (patch_t - pt_hi.astype(_F32)).astype(jnp.bfloat16)

    minval, midx, sidx, sstar = pl.pallas_call(
        _pass1_body,
        grid=(nb + 1,),
        in_specs=[
            pl.BlockSpec((d, q), lambda i: (0, 0)),
            pl.BlockSpec((d, q), lambda i: (0, 0)),
            pl.BlockSpec((d, q), lambda i: (0, 0)),
            pl.BlockSpec((bsz, d), lambda i: (jnp.minimum(i, nb - 1), 0)),
        ],
        out_specs=[
            pl.BlockSpec((1, q), lambda i: (0, 0)),
            pl.BlockSpec((1, 1), lambda i: (0, 0)),
            pl.BlockSpec((1, 1), lambda i: (0, 0)),
            pl.BlockSpec((1, 1), lambda i: (0, 0)),
        ],
        out_shape=[
            jax.ShapeDtypeStruct((1, q), _F32),
            jax.ShapeDtypeStruct((1, 1), jnp.int32),
            jax.ShapeDtypeStruct((1, 1), jnp.int32),
            jax.ShapeDtypeStruct((1, 1), _F32),
        ],
        scratch_shapes=[
            pltpu.VMEM((1, q), _F32),
            pltpu.VMEM((1, q), jnp.int32),
            pltpu.VMEM((bsz, q), _F32),
            pltpu.VMEM((bsz, 1), _F32),
        ],
    )(patch_t, pt_hi, pt_lo, patch_lib)

    mstar = jax.lax.dynamic_slice(patch_lib, (midx[0, 0], 0), (1, d))
    mtest = jax.lax.dynamic_slice(patch, (sidx[0, 0], 0), (1, d))
    vals, idxs = _pass2_sc(patch_lib, mstar[0])
    cv = vals[:, :3].reshape(-1)
    ci = idxs[:, :3].reshape(-1)
    _, sel = lax.top_k(-cv, 3)
    nn = ci[sel]
    rows = jnp.take(patch_lib, nn[1:], axis=0)
    knn = jnp.sqrt(jnp.sum((mtest - rows) ** 2, axis=1))
    ddv = jnp.sqrt(jnp.asarray(float(d), _F32))
    ss = sstar[0, 0]
    w = 1.0 - jnp.exp(ss / ddv) / jnp.sum(jnp.exp(knn / ddv))
    s = w * ss

    fh = int(round(float(np.sqrt(q))))
    mmat = jnp.asarray(_MMAT)
    mmat_t = jnp.asarray(_MMAT_T)
    smap = pl.pallas_call(
        _smap_body,
        out_shape=jax.ShapeDtypeStruct((mmat.shape[0], mmat.shape[0]), _F32),
    )(minval.reshape(fh, fh), mmat, mmat_t)

    return s, smap[None, None]

# --- scband reference (transcript-rebuilt; emitter-appended) ---
"""Pipeline reference for scband-patch-core-22883585753563 (READ-ONLY COPY).

The authoritative reference and input builder live on the scoring server;
editing this copy changes nothing except your own understanding.
"""

import jax, jax.numpy as jnp
import numpy as np


def _cdist(a, b):
    a2 = jnp.sum(a * a, axis=1)[:, None]
    b2 = jnp.sum(b * b, axis=1)[None, :]
    d2 = a2 + b2 - 2.0 * (a @ b.T)
    return jnp.sqrt(jnp.maximum(d2, 1e-12))


def _gaussian_kernel1d(sigma=4.0):
    radius = int(4 * sigma + 0.5)
    x = jnp.arange(-radius, radius + 1, dtype=jnp.float32)
    k = jnp.exp(-0.5 * (x / sigma) ** 2)
    return k / jnp.sum(k)


def _gaussian_blur(img, sigma=4.0):
    # img: [1,1,H,W]; separable gaussian blur with reflect padding (kornia-style GaussianBlur(4))
    k = _gaussian_kernel1d(sigma)
    r = (k.shape[0] - 1) // 2
    x = img[0, 0]
    x = jnp.pad(x, ((r, r), (r, r)), mode='reflect')
    x = jax.vmap(lambda row: jnp.convolve(row, k, mode='valid'))(x)
    x = jax.vmap(lambda col: jnp.convolve(col, k, mode='valid'), in_axes=1, out_axes=1)(x)
    return x[None, None]


def setup_inputs(seed: int = 0) -> dict:
    key = jax.random.key(seed)
    k1, k2 = jax.random.split(key)
    patch = jax.random.normal(k1, (784, 384), dtype=jnp.float32)
    patch_lib = jax.random.normal(k2, (100000, 384), dtype=jnp.float32)
    return {"patch": patch, "patch_lib": patch_lib}


def reference(patch, patch_lib):
    # PatchCore.predict core: patch = flattened locally-averaged backbone features [Q, d]
    n_reweight = 3
    image_size = 224
    fmap_h, fmap_w = 28, 28

    dist = _cdist(patch, patch_lib)                 # [Q, M]
    min_val = jnp.min(dist, axis=1)                 # [Q]
    min_idx = jnp.argmin(dist, axis=1)              # [Q]
    s_idx = jnp.argmax(min_val)
    s_star = jnp.max(min_val)
    m_test = patch[s_idx][None, :]                  # [1, d]
    m_star = patch_lib[min_idx[s_idx]][None, :]     # [1, d]
    w_dist = _cdist(m_star, patch_lib)              # [1, M]
    _, nn_idx = jax.lax.top_k(-w_dist, n_reweight)  # smallest-k
    m_star_knn = jnp.linalg.norm(m_test - patch_lib[nn_idx[0, 1:]], axis=1)
    D = jnp.sqrt(jnp.asarray(patch.shape[1], dtype=jnp.float32))
    w = 1.0 - jnp.exp(s_star / D) / jnp.sum(jnp.exp(m_star_knn / D))
    s = w * s_star

    s_map = min_val.reshape(1, 1, fmap_h, fmap_w)
    s_map = jax.image.resize(s_map, (1, 1, image_size, image_size), method='bilinear')
    s_map = _gaussian_blur(s_map, sigma=4.0)
    return (s, s_map)

if __name__ == "__main__":
    import jax
    _d = setup_inputs()
    print(jax.jit(kernel)(*tuple(_d.values())))

</pallas_src>

<mosaic_0001>
#map = affine_map<(d0, d1) -> (0, 0)>
#map1 = affine_map<(d0, d1) -> (0)>
module attributes {stable_mosaic.version = 14 : i64} {
  func.func @sc_k(%arg0: i32, %arg1: i32, %arg2: memref<100000x384xf32, #tpu.memory_space<hbm>>, %arg3: memref<384xf32, #tpu.memory_space<hbm>>, %arg4: memref<32x16xf32, #tpu.memory_space<hbm>>, %arg5: memref<32x16xi32, #tpu.memory_space<hbm>>, %arg6: memref<384xf32, #tpu.memory_space<vmem>>, %arg7: memref<200x384xf32, #tpu.memory_space<vmem>>, %arg8: memref<16xf32, #tpu.memory_space<vmem>>, %arg9: memref<16xi32, #tpu.memory_space<vmem>>) attributes {dimension_semantics = [#tpu.dimension_semantics<core_parallel>, #tpu.dimension_semantics<subcore_parallel>], iteration_bounds = array<i64: 2, 16>, scalar_prefetch = 0 : i64, scratch_operands = 4 : i64, tpu.core_type = #tpu.core_type<sc_vector_subcore>, window_params = [{transform_indices = #map}, {transform_indices = #map1}, {transform_indices = #map}, {transform_indices = #map}]} {
    %mul3A = arith.constant 2 : i32
    %mul3A_0 = arith.muli %arg1, %mul3A : i32
    %add3A = arith.addi %mul3A_0, %arg0 : i32
    "tpu.region"() ({
      %run_scoped3A = tpu.sem_alloc : memref<!tpu.dma_semaphore, #tpu.memory_space<semaphore_mem>>
      tpu.enqueue_dma source(%arg3 : memref<384xf32, #tpu.memory_space<hbm>>) target(%arg6 : memref<384xf32, #tpu.memory_space<vmem>>) target_semaphore(%run_scoped3A : memref<!tpu.dma_semaphore, #tpu.memory_space<semaphore_mem>>)
      tpu.wait_dma2 semaphore(%run_scoped3A : memref<!tpu.dma_semaphore, #tpu.memory_space<semaphore_mem>>) src(%arg3 : memref<384xf32, #tpu.memory_space<hbm>>) dst(%arg6 : memref<384xf32, #tpu.memory_space<vmem>>)
      tpu.yield
    }) : () -> ()
    %get3A = arith.constant 0 : index
    %get3A_1 = tpu.vector_load %arg6[%get3A] {strides = array<i32>} : memref<384xf32, #tpu.memory_space<vmem>>, vector<16xf32>,
    %get3A_2 = arith.constant 16 : index
    %get3A_3 = tpu.vector_load %arg6[%get3A_2] {strides = array<i32>} : memref<384xf32, #tpu.memory_space<vmem>>, vector<16xf32>,
    %get3A_4 = arith.constant 32 : index
    %get3A_5 = tpu.vector_load %arg6[%get3A_4] {strides = array<i32>} : memref<384xf32, #tpu.memory_space<vmem>>, vector<16xf32>,
    %get3A_6 = arith.constant 48 : index
    %get3A_7 = tpu.vector_load %arg6[%get3A_6] {strides = array<i32>} : memref<384xf32, #tpu.memory_space<vmem>>, vector<16xf32>,
    %get3A_8 = arith.constant 64 : index
    %get3A_9 = tpu.vector_load %arg6[%get3A_8] {strides = array<i32>} : memref<384xf32, #tpu.memory_space<vmem>>, vector<16xf32>,
    %get3A_10 = arith.constant 80 : index
    %get3A_11 = tpu.vector_load %arg6[%get3A_10] {strides = array<i32>} : memref<384xf32, #tpu.memory_space<vmem>>, vector<16xf32>,
    %get3A_12 = arith.constant 96 : index
    %get3A_13 = tpu.vector_load %arg6[%get3A_12] {strides = array<i32>} : memref<384xf32, #tpu.memory_space<vmem>>, vector<16xf32>,
    %get3A_14 = arith.constant 112 : index
    %get3A_15 = tpu.vector_load %arg6[%get3A_14] {strides = array<i32>} : memref<384xf32, #tpu.memory_space<vmem>>, vector<16xf32>,
    %get3A_16 = arith.constant 128 : index
    %get3A_17 = tpu.vector_load %arg6[%get3A_16] {strides = array<i32>} : memref<384xf32, #tpu.memory_space<vmem>>, vector<16xf32>,
    %get3A_18 = arith.constant 144 : index
    %get3A_19 = tpu.vector_load %arg6[%get3A_18] {strides = array<i32>} : memref<384xf32, #tpu.memory_space<vmem>>, vector<16xf32>,
    %get3A_20 = arith.constant 160 : index
    %get3A_21 = tpu.vector_load %arg6[%get3A_20] {strides = array<i32>} : memref<384xf32, #tpu.memory_space<vmem>>, vector<16xf32>,
    %get3A_22 = arith.constant 176 : index
    %get3A_23 = tpu.vector_load %arg6[%get3A_22] {strides = array<i32>} : memref<384xf32, #tpu.memory_space<vmem>>, vector<16xf32>,
    %get3A_24 = arith.constant 192 : index
    %get3A_25 = tpu.vector_load %arg6[%get3A_24] {strides = array<i32>} : memref<384xf32, #tpu.memory_space<vmem>>, vector<16xf32>,
    %get3A_26 = arith.constant 208 : index
    %get3A_27 = tpu.vector_load %arg6[%get3A_26] {strides = array<i32>} : memref<384xf32, #tpu.memory_space<vmem>>, vector<16xf32>,
    %get3A_28 = arith.constant 224 : index
    %get3A_29 = tpu.vector_load %arg6[%get3A_28] {strides = array<i32>} : memref<384xf32, #tpu.memory_space<vmem>>, vector<16xf32>,
    %get3A_30 = arith.constant 240 : index
    %get3A_31 = tpu.vector_load %arg6[%get3A_30] {strides = array<i32>} : memref<384xf32, #tpu.memory_space<vmem>>, vector<16xf32>,
    %get3A_32 = arith.constant 256 : index
    %get3A_33 = tpu.vector_load %arg6[%get3A_32] {strides = array<i32>} : memref<384xf32, #tpu.memory_space<vmem>>, vector<16xf32>,
    %get3A_34 = arith.constant 272 : index
    %get3A_35 = tpu.vector_load %arg6[%get3A_34] {strides = array<i32>} : memref<384xf32, #tpu.memory_space<vmem>>, vector<16xf32>,
    %get3A_36 = arith.constant 288 : index
    %get3A_37 = tpu.vector_load %arg6[%get3A_36] {strides = array<i32>} : memref<384xf32, #tpu.memory_space<vmem>>, vector<16xf32>,
    %get3A_38 = arith.constant 304 : index
    %get3A_39 = tpu.vector_load %arg6[%get3A_38] {strides = array<i32>} : memref<384xf32, #tpu.memory_space<vmem>>, vector<16xf32>,
    %get3A_40 = arith.constant 320 : index
    %get3A_41 = tpu.vector_load %arg6[%get3A_40] {strides = array<i32>} : memref<384xf32, #tpu.memory_space<vmem>>, vector<16xf32>,
    %get3A_42 = arith.constant 336 : index
    %get3A_43 = tpu.vector_load %arg6[%get3A_42] {strides = array<i32>} : memref<384xf32, #tpu.memory_space<vmem>>, vector<16xf32>,
    %get3A_44 = arith.constant 352 : index
    %get3A_45 = tpu.vector_load %arg6[%get3A_44] {strides = array<i32>} : memref<384xf32, #tpu.memory_space<vmem>>, vector<16xf32>,
    %get3A_46 = arith.constant 368 : index
    %get3A_47 = tpu.vector_load %arg6[%get3A_46] {strides = array<i32>} : memref<384xf32, #tpu.memory_space<vmem>>, vector<16xf32>,
    %scan3A = arith.constant 3.000000e+38 : f32
    %scan3A_48 = arith.constant 3.000000e+38 : f32
    %scan3A_49 = arith.constant 3.000000e+38 : f32
    %scan3A_50 = arith.constant 0 : i32
    %scan3A_51 = arith.constant 0 : i32
    %scan3A_52 = arith.constant 0 : i32
    %scan3A_53 = arith.constant 0 : i32
    %scan3A_54 = arith.constant 16 : i32
    %scan3A_55 = arith.addi %scan3A_53, %scan3A_54 : i32
    %scan3A_56 = arith.constant 1 : i32
    %scan3A_57:6 = scf.for %scan3A_92 = %scan3A_53 to %scan3A_55 step %scan3A_56 iter_args(%scan3A_93 = %scan3A, %scan3A_94 = %scan3A_48, %scan3A_95 = %scan3A_49, %scan3A_96 = %scan3A_50, %scan3A_97 = %scan3A_51, %scan3A_98 = %scan3A_52) -> (f32, f32, f32, i32, i32, i32)  : i32 {
      %mul3A_99 = arith.constant 32 : i32
      %mul3A_100 = arith.muli %scan3A_92, %mul3A_99 : i32
      %add3A_101 = arith.addi %add3A, %mul3A_100 : i32
      %lt3A = arith.constant 500 : i32
      %lt3A_102 = arith.cmpi slt, %add3A_101, %lt3A : i32
      %min3A = arith.constant 499 : i32
      %min3A_103 = arith.minsi %add3A_101, %min3A : i32
      %mul3A_104 = arith.constant 200 : i32
      %mul3A_105 = arith.muli %min3A_103, %mul3A_104 : i32
      "tpu.region"() ({
        %run_scoped3A = tpu.sem_alloc : memref<!tpu.dma_semaphore, #tpu.memory_space<semaphore_mem>>
        %dma_start3A = arith.constant 0 : i32
        %dma_start3A_118 = tpu.memref_slice %arg2[%mul3A_105, %dma_start3A] : memref<100000x384xf32, #tpu.memory_space<hbm>> -> memref<200x384xf32, #tpu.memory_space<hbm>>
        %dma_start3A_119 = arith.constant 0 : i32
        %dma_start3A_120 = tpu.memref_slice %arg2[%mul3A_105, %dma_start3A_119] : memref<100000x384xf32, #tpu.memory_space<hbm>> -> memref<200x384xf32, #tpu.memory_space<hbm>>
        tpu.enqueue_dma source(%dma_start3A_120 : memref<200x384xf32, #tpu.memory_space<hbm>>) target(%arg7 : memref<200x384xf32, #tpu.memory_space<vmem>>) target_semaphore(%run_scoped3A : memref<!tpu.dma_semaphore, #tpu.memory_space<semaphore_mem>>)
        %dma_wait3A = arith.constant 0 : i32
        %dma_wait3A_121 = tpu.memref_slice %arg2[%mul3A_105, %dma_wait3A] : memref<100000x384xf32, #tpu.memory_space<hbm>> -> memref<200x384xf32, #tpu.memory_space<hbm>>
        %dma_wait3A_122 = arith.constant 0 : i32
        %dma_wait3A_123 = tpu.memref_slice %arg2[%mul3A_105, %dma_wait3A_122] : memref<100000x384xf32, #tpu.memory_space<hbm>> -> memref<200x384xf32, #tpu.memory_space<hbm>>
        tpu.wait_dma2 semaphore(%run_scoped3A : memref<!tpu.dma_semaphore, #tpu.memory_space<semaphore_mem>>) src(%dma_wait3A_123 : memref<200x384xf32, #tpu.memory_space<hbm>>) dst(%arg7 : memref<200x384xf32, #tpu.memory_space<vmem>>)
        tpu.yield
      }) : () -> ()
      %scan3A_106 = arith.constant 0 : i32
      %scan3A_107 = arith.constant 200 : i32
      %scan3A_108 = arith.addi %scan3A_106, %scan3A_107 : i32
      %scan3A_109 = arith.constant 1 : i32
      %scan3A_110:6 = scf.for %scan3A_118 = %scan3A_106 to %scan3A_108 step %scan3A_109 iter_args(%scan3A_119 = %scan3A_93, %scan3A_120 = %scan3A_94, %scan3A_121 = %scan3A_95, %scan3A_122 = %scan3A_96, %scan3A_123 = %scan3A_97, %scan3A_124 = %scan3A_98) -> (f32, f32, f32, i32, i32, i32)  : i32 {
        %broadcast_in_dim3A_125 = arith.constant 0.000000e+00 : f32
        %broadcast_in_dim3A_126 = vector.broadcast %broadcast_in_dim3A_125 : f32 to vector<16xf32>
        %get3A_127 = arith.index_cast %scan3A_118 : i32 to index
        %get3A_128 = arith.constant 0 : index
        %get3A_129 = tpu.vector_load %arg7[%get3A_127, %get3A_128] {strides = array<i32>} : memref<200x384xf32, #tpu.memory_space<vmem>>, vector<16xf32>,
        %sub3A = arith.subf %get3A_129, %get3A_1 : vector<16xf32>
        %mul3A_130 = arith.mulf %sub3A, %sub3A : vector<16xf32>
        %add3A_131 = arith.addf %broadcast_in_dim3A_126, %mul3A_130 : vector<16xf32>
        %get3A_132 = arith.index_cast %scan3A_118 : i32 to index
        %get3A_133 = arith.constant 16 : index
        %get3A_134 = tpu.vector_load %arg7[%get3A_132, %get3A_133] {strides = array<i32>} : memref<200x384xf32, #tpu.memory_space<vmem>>, vector<16xf32>,
        %sub3A_135 = arith.subf %get3A_134, %get3A_3 : vector<16xf32>
        %mul3A_136 = arith.mulf %sub3A_135, %sub3A_135 : vector<16xf32>
        %add3A_137 = arith.addf %add3A_131, %mul3A_136 : vector<16xf32>
        %get3A_138 = arith.index_cast %scan3A_118 : i32 to index
        %get3A_139 = arith.constant 32 : index
        %get3A_140 = tpu.vector_load %arg7[%get3A_138, %get3A_139] {strides = array<i32>} : memref<200x384xf32, #tpu.memory_space<vmem>>, vector<16xf32>,
        %sub3A_141 = arith.subf %get3A_140, %get3A_5 : vector<16xf32>
        %mul3A_142 = arith.mulf %sub3A_141, %sub3A_141 : vector<16xf32>
        %add3A_143 = arith.addf %add3A_137, %mul3A_142 : vector<16xf32>
        %get3A_144 = arith.index_cast %scan3A_118 : i32 to index
        %get3A_145 = arith.constant 48 : index
        %get3A_146 = tpu.vector_load %arg7[%get3A_144, %get3A_145] {strides = array<i32>} : memref<200x384xf32, #tpu.memory_space<vmem>>, vector<16xf32>,
        %sub3A_147 = arith.subf %get3A_146, %get3A_7 : vector<16xf32>
        %mul3A_148 = arith.mulf %sub3A_147, %sub3A_147 : vector<16xf32>
        %add3A_149 = arith.addf %add3A_143, %mul3A_148 : vector<16xf32>
        %get3A_150 = arith.index_cast %scan3A_118 : i32 to index
        %get3A_151 = arith.constant 64 : index
        %get3A_152 = tpu.vector_load %arg7[%get3A_150, %get3A_151] {strides = array<i32>} : memref<200x384xf32, #tpu.memory_space<vmem>>, vector<16xf32>,
        %sub3A_153 = arith.subf %get3A_152, %get3A_9 : vector<16xf32>
        %mul3A_154 = arith.mulf %sub3A_153, %sub3A_153 : vector<16xf32>
        %add3A_155 = arith.addf %add3A_149, %mul3A_154 : vector<16xf32>
        %get3A_156 = arith.index_cast %scan3A_118 : i32 to index
        %get3A_157 = arith.constant 80 : index
        %get3A_158 = tpu.vector_load %arg7[%get3A_156, %get3A_157] {strides = array<i32>} : memref<200x384xf32, #tpu.memory_space<vmem>>, vector<16xf32>,
        %sub3A_159 = arith.subf %get3A_158, %get3A_11 : vector<16xf32>
        %mul3A_160 = arith.mulf %sub3A_159, %sub3A_159 : vector<16xf32>
        %add3A_161 = arith.addf %add3A_155, %mul3A_160 : vector<16xf32>
        %get3A_162 = arith.index_cast %scan3A_118 : i32 to index
        %get3A_163 = arith.constant 96 : index
        %get3A_164 = tpu.vector_load %arg7[%get3A_162, %get3A_163] {strides = array<i32>} : memref<200x384xf32, #tpu.memory_space<vmem>>, vector<16xf32>,
        %sub3A_165 = arith.subf %get3A_164, %get3A_13 : vector<16xf32>
        %mul3A_166 = arith.mulf %sub3A_165, %sub3A_165 : vector<16xf32>
        %add3A_167 = arith.addf %add3A_161, %mul3A_166 : vector<16xf32>
        %get3A_168 = arith.index_cast %scan3A_118 : i32 to index
        %get3A_169 = arith.constant 112 : index
        %get3A_170 = tpu.vector_load %arg7[%get3A_168, %get3A_169] {strides = array<i32>} : memref<200x384xf32, #tpu.memory_space<vmem>>, vector<16xf32>,
        %sub3A_171 = arith.subf %get3A_170, %get3A_15 : vector<16xf32>
        %mul3A_172 = arith.mulf %sub3A_171, %sub3A_171 : vector<16xf32>
        %add3A_173 = arith.addf %add3A_167, %mul3A_172 : vector<16xf32>
        %get3A_174 = arith.index_cast %scan3A_118 : i32 to index
        %get3A_175 = arith.constant 128 : index
        %get3A_176 = tpu.vector_load %arg7[%get3A_174, %get3A_175] {strides = array<i32>} : memref<200x384xf32, #tpu.memory_space<vmem>>, vector<16xf32>,
        %sub3A_177 = arith.subf %get3A_176, %get3A_17 : vector<16xf32>
        %mul3A_178 = arith.mulf %sub3A_177, %sub3A_177 : vector<16xf32>
        %add3A_179 = arith.addf %add3A_173, %mul3A_178 : vector<16xf32>
        %get3A_180 = arith.index_cast %scan3A_118 : i32 to index
        %get3A_181 = arith.constant 144 : index
        %get3A_182 = tpu.vector_load %arg7[%get3A_180, %get3A_181] {strides = array<i32>} : memref<200x384xf32, #tpu.memory_space<vmem>>, vector<16xf32>,
        %sub3A_183 = arith.subf %get3A_182, %get3A_19 : vector<16xf32>
        %mul3A_184 = arith.mulf %sub3A_183, %sub3A_183 : vector<16xf32>
        %add3A_185 = arith.addf %add3A_179, %mul3A_184 : vector<16xf32>
        %get3A_186 = arith.index_cast %scan3A_118 : i32 to index
        %get3A_187 = arith.constant 160 : index
        %get3A_188 = tpu.vector_load %arg7[%get3A_186, %get3A_187] {strides = array<i32>} : memref<200x384xf32, #tpu.memory_space<vmem>>, vector<16xf32>,
        %sub3A_189 = arith.subf %get3A_188, %get3A_21 : vector<16xf32>
        %mul3A_190 = arith.mulf %sub3A_189, %sub3A_189 : vector<16xf32>
        %add3A_191 = arith.addf %add3A_185, %mul3A_190 : vector<16xf32>
        %get3A_192 = arith.index_cast %scan3A_118 : i32 to index
        %get3A_193 = arith.constant 176 : index
        %get3A_194 = tpu.vector_load %arg7[%get3A_192, %get3A_193] {strides = array<i32>} : memref<200x384xf32, #tpu.memory_space<vmem>>, vector<16xf32>,
        %sub3A_195 = arith.subf %get3A_194, %get3A_23 : vector<16xf32>
        %mul3A_196 = arith.mulf %sub3A_195, %sub3A_195 : vector<16xf32>
        %add3A_197 = arith.addf %add3A_191, %mul3A_196 : vector<16xf32>
        %get3A_198 = arith.index_cast %scan3A_118 : i32 to index
        %get3A_199 = arith.constant 192 : index
        %get3A_200 = tpu.vector_load %arg7[%get3A_198, %get3A_199] {strides = array<i32>} : memref<200x384xf32, #tpu.memory_space<vmem>>, vector<16xf32>,
        %sub3A_201 = arith.subf %get3A_200, %get3A_25 : vector<16xf32>
        %mul3A_202 = arith.mulf %sub3A_201, %sub3A_201 : vector<16xf32>
        %add3A_203 = arith.addf %add3A_197, %mul3A_202 : vector<16xf32>
        %get3A_204 = arith.index_cast %scan3A_118 : i32 to index
        %get3A_205 = arith.constant 208 : index
        %get3A_206 = tpu.vector_load %arg7[%get3A_204, %get3A_205] {strides = array<i32>} : memref<200x384xf32, #tpu.memory_space<vmem>>, vector<16xf32>,
        %sub3A_207 = arith.subf %get3A_206, %get3A_27 : vector<16xf32>
        %mul3A_208 = arith.mulf %sub3A_207, %sub3A_207 : vector<16xf32>
        %add3A_209 = arith.addf %add3A_203, %mul3A_208 : vector<16xf32>
        %get3A_210 = arith.index_cast %scan3A_118 : i32 to index
        %get3A_211 = arith.constant 224 : index
        %get3A_212 = tpu.vector_load %arg7[%get3A_210, %get3A_211] {strides = array<i32>} : memref<200x384xf32, #tpu.memory_space<vmem>>, vector<16xf32>,
        %sub3A_213 = arith.subf %get3A_212, %get3A_29 : vector<16xf32>
        %mul3A_214 = arith.mulf %sub3A_213, %sub3A_213 : vector<16xf32>
        %add3A_215 = arith.addf %add3A_209, %mul3A_214 : vector<16xf32>
        %get3A_216 = arith.index_cast %scan3A_118 : i32 to index
        %get3A_217 = arith.constant 240 : index
        %get3A_218 = tpu.vector_load %arg7[%get3A_216, %get3A_217] {strides = array<i32>} : memref<200x384xf32, #tpu.memory_space<vmem>>, vector<16xf32>,
        %sub3A_219 = arith.subf %get3A_218, %get3A_31 : vector<16xf32>
        %mul3A_220 = arith.mulf %sub3A_219, %sub3A_219 : vector<16xf32>
        %add3A_221 = arith.addf %add3A_215, %mul3A_220 : vector<16xf32>
        %get3A_222 = arith.index_cast %scan3A_118 : i32 to index
        %get3A_223 = arith.constant 256 : index
        %get3A_224 = tpu.vector_load %arg7[%get3A_222, %get3A_223] {strides = array<i32>} : memref<200x384xf32, #tpu.memory_space<vmem>>, vector<16xf32>,
        %sub3A_225 = arith.subf %get3A_224, %get3A_33 : vector<16xf32>
        %mul3A_226 = arith.mulf %sub3A_225, %sub3A_225 : vector<16xf32>
        %add3A_227 = arith.addf %add3A_221, %mul3A_226 : vector<16xf32>
        %get3A_228 = arith.index_cast %scan3A_118 : i32 to index
        %get3A_229 = arith.constant 272 : index
        %get3A_230 = tpu.vector_load %arg7[%get3A_228, %get3A_229] {strides = array<i32>} : memref<200x384xf32, #tpu.memory_space<vmem>>, vector<16xf32>,
        %sub3A_231 = arith.subf %get3A_230, %get3A_35 : vector<16xf32>
        %mul3A_232 = arith.mulf %sub3A_231, %sub3A_231 : vector<16xf32>
        %add3A_233 = arith.addf %add3A_227, %mul3A_232 : vector<16xf32>
        %get3A_234 = arith.index_cast %scan3A_118 : i32 to index
        %get3A_235 = arith.constant 288 : index
        %get3A_236 = tpu.vector_load %arg7[%get3A_234, %get3A_235] {strides = array<i32>} : memref<200x384xf32, #tpu.memory_space<vmem>>, vector<16xf32>,
        %sub3A_237 = arith.subf %get3A_236, %get3A_37 : vector<16xf32>
        %mul3A_238 = arith.mulf %sub3A_237, %sub3A_237 : vector<16xf32>
        %add3A_239 = arith.addf %add3A_233, %mul3A_238 : vector<16xf32>
        %get3A_240 = arith.index_cast %scan3A_118 : i32 to index
        %get3A_241 = arith.constant 304 : index
        %get3A_242 = tpu.vector_load %arg7[%get3A_240, %get3A_241] {strides = array<i32>} : memref<200x384xf32, #tpu.memory_space<vmem>>, vector<16xf32>,
        %sub3A_243 = arith.subf %get3A_242, %get3A_39 : vector<16xf32>
        %mul3A_244 = arith.mulf %sub3A_243, %sub3A_243 : vector<16xf32>
        %add3A_245 = arith.addf %add3A_239, %mul3A_244 : vector<16xf32>
        %get3A_246 = arith.index_cast %scan3A_118 : i32 to index
        %get3A_247 = arith.constant 320 : index
        %get3A_248 = tpu.vector_load %arg7[%get3A_246, %get3A_247] {strides = array<i32>} : memref<200x384xf32, #tpu.memory_space<vmem>>, vector<16xf32>,
        %sub3A_249 = arith.subf %get3A_248, %get3A_41 : vector<16xf32>
        %mul3A_250 = arith.mulf %sub3A_249, %sub3A_249 : vector<16xf32>
        %add3A_251 = arith.addf %add3A_245, %mul3A_250 : vector<16xf32>
        %get3A_252 = arith.index_cast %scan3A_118 : i32 to index
        %get3A_253 = arith.constant 336 : index
        %get3A_254 = tpu.vector_load %arg7[%get3A_252, %get3A_253] {strides = array<i32>} : memref<200x384xf32, #tpu.memory_space<vmem>>, vector<16xf32>,
        %sub3A_255 = arith.subf %get3A_254, %get3A_43 : vector<16xf32>
        %mul3A_256 = arith.mulf %sub3A_255, %sub3A_255 : vector<16xf32>
        %add3A_257 = arith.addf %add3A_251, %mul3A_256 : vector<16xf32>
        %get3A_258 = arith.index_cast %scan3A_118 : i32 to index
        %get3A_259 = arith.constant 352 : index
        %get3A_260 = tpu.vector_load %arg7[%get3A_258, %get3A_259] {strides = array<i32>} : memref<200x384xf32, #tpu.memory_space<vmem>>, vector<16xf32>,
        %sub3A_261 = arith.subf %get3A_260, %get3A_45 : vector<16xf32>
        %mul3A_262 = arith.mulf %sub3A_261, %sub3A_261 : vector<16xf32>
        %add3A_263 = arith.addf %add3A_257, %mul3A_262 : vector<16xf32>
        %get3A_264 = arith.index_cast %scan3A_118 : i32 to index
        %get3A_265 = arith.constant 368 : index
        %get3A_266 = tpu.vector_load %arg7[%get3A_264, %get3A_265] {strides = array<i32>} : memref<200x384xf32, #tpu.memory_space<vmem>>, vector<16xf32>,
        %sub3A_267 = arith.subf %get3A_266, %get3A_47 : vector<16xf32>
        %mul3A_268 = arith.mulf %sub3A_267, %sub3A_267 : vector<16xf32>
        %add3A_269 = arith.addf %add3A_263, %mul3A_268 : vector<16xf32>
        %broadcast_in_dim3A_270 = arith.constant true
        %broadcast_in_dim3A_271 = vector.broadcast %broadcast_in_dim3A_270 : i1 to vector<16xi1>
        %masked_cumsum3A = tpu.scan <sum>, %add3A_269 masked %broadcast_in_dim3A_271 : vector<16xf32>, vector<16xi1> -> vector<16xf32>
        %slice3A = vector.extract_strided_slice %masked_cumsum3A {offsets = [15], sizes = [1], strides = [1]} : vector<16xf32> to vector<1xf32>
        %squeeze3A = vector.extract %slice3A[0] : f32 from vector<1xf32>
        %add3A_272 = arith.addi %mul3A_105, %scan3A_118 : i32
        %lt3A_273 = arith.cmpf olt, %squeeze3A, %scan3A_119 : f32
        %lt3A_274 = arith.cmpf olt, %squeeze3A, %scan3A_120 : f32
        %lt3A_275 = arith.cmpf olt, %squeeze3A, %scan3A_121 : f32
        %select_n3A_276 = arith.select %lt3A_273, %squeeze3A, %scan3A_119 : f32
        %select_n3A_277 = arith.select %lt3A_273, %add3A_272, %scan3A_122 : i32
        %select_n3A_278 = arith.select %lt3A_274, %squeeze3A, %scan3A_120 : f32
        %select_n3A_279 = arith.select %lt3A_273, %scan3A_119, %select_n3A_278 : f32
        %select_n3A_280 = arith.select %lt3A_274, %add3A_272, %scan3A_123 : i32
        %select_n3A_281 = arith.select %lt3A_273, %scan3A_122, %select_n3A_280 : i32
        %select_n3A_282 = arith.select %lt3A_275, %squeeze3A, %scan3A_121 : f32
        %select_n3A_283 = arith.select %lt3A_274, %scan3A_120, %select_n3A_282 : f32
        %select_n3A_284 = arith.select %lt3A_275, %add3A_272, %scan3A_124 : i32
        %select_n3A_285 = arith.select %lt3A_274, %scan3A_123, %select_n3A_284 : i32
        scf.yield %select_n3A_276, %select_n3A_279, %select_n3A_283, %select_n3A_277, %select_n3A_281, %select_n3A_285 : f32, f32, f32, i32, i32, i32
      }
      %scan3A_111 = arith.constant 200 : i32
      %select_n3A_112 = arith.select %lt3A_102, %scan3A_110#0, %scan3A_93 : f32
      %select_n3A_113 = arith.select %lt3A_102, %scan3A_110#1, %scan3A_94 : f32
      %select_n3A_114 = arith.select %lt3A_102, %scan3A_110#2, %scan3A_95 : f32
      %select_n3A_115 = arith.select %lt3A_102, %scan3A_110#3, %scan3A_96 : i32
      %select_n3A_116 = arith.select %lt3A_102, %scan3A_110#4, %scan3A_97 : i32
      %select_n3A_117 = arith.select %lt3A_102, %scan3A_110#5, %scan3A_98 : i32
      scf.yield %select_n3A_112, %select_n3A_113, %select_n3A_114, %select_n3A_115, %select_n3A_116, %select_n3A_117 : f32, f32, f32, i32, i32, i32
    }
    %scan3A_58 = arith.constant 16 : i32
    %iota3A = tpu.iota {dimensions = array<i32: 0>} : vector<16xi32>
    %eq3A = arith.constant 0 : i32
    %eq3A_59 = vector.broadcast %eq3A : i32 to vector<16xi32>
    %eq3A_60 = arith.cmpi eq, %iota3A, %eq3A_59 : vector<16xi32>
    %eq3A_61 = arith.constant 1 : i32
    %eq3A_62 = vector.broadcast %eq3A_61 : i32 to vector<16xi32>
    %eq3A_63 = arith.cmpi eq, %iota3A, %eq3A_62 : vector<16xi32>
    %eq3A_64 = arith.constant 2 : i32
    %eq3A_65 = vector.broadcast %eq3A_64 : i32 to vector<16xi32>
    %eq3A_66 = arith.cmpi eq, %iota3A, %eq3A_65 : vector<16xi32>
    %jit3A = arith.constant 3.000000e+38 : f32
    %broadcast_in_dim3A = vector.broadcast %scan3A_57#2 : f32 to vector<16xf32>
    %broadcast_in_dim3A_67 = vector.broadcast %jit3A : f32 to vector<16xf32>
    %select_n3A = arith.select %eq3A_66, %broadcast_in_dim3A, %broadcast_in_dim3A_67 : vector<16xi1>, vector<16xf32>
    %broadcast_in_dim3A_68 = vector.broadcast %scan3A_57#1 : f32 to vector<16xf32>
    %select_n3A_69 = arith.select %eq3A_63, %broadcast_in_dim3A_68, %select_n3A : vector<16xi1>, vector<16xf32>
    %broadcast_in_dim3A_70 = vector.broadcast %scan3A_57#0 : f32 to vector<16xf32>
    %select_n3A_71 = arith.select %eq3A_60, %broadcast_in_dim3A_70, %select_n3A_69 : vector<16xi1>, vector<16xf32>
    %swap3A = arith.constant 0 : index
    %swap3A_72 = tpu.vector_load %arg8[%swap3A] {strides = array<i32>} : memref<16xf32, #tpu.memory_space<vmem>>, vector<16xf32>,
    tpu.vector_store %arg8[%swap3A], %select_n3A_71 {strides = array<i32>} : memref<16xf32, #tpu.memory_space<vmem>>, vector<16xf32>,
    %eq3A_73 = arith.constant 0 : i32
    %eq3A_74 = vector.broadcast %eq3A_73 : i32 to vector<16xi32>
    %eq3A_75 = arith.cmpi eq, %iota3A, %eq3A_74 : vector<16xi32>
    %eq3A_76 = arith.constant 1 : i32
    %eq3A_77 = vector.broadcast %eq3A_76 : i32 to vector<16xi32>
    %eq3A_78 = arith.cmpi eq, %iota3A, %eq3A_77 : vector<16xi32>
    %eq3A_79 = arith.constant 2 : i32
    %eq3A_80 = vector.broadcast %eq3A_79 : i32 to vector<16xi32>
    %eq3A_81 = arith.cmpi eq, %iota3A, %eq3A_80 : vector<16xi32>
    %jit3A_82 = arith.constant 0 : i32
    %broadcast_in_dim3A_83 = vector.broadcast %scan3A_57#5 : i32 to vector<16xi32>
    %broadcast_in_dim3A_84 = vector.broadcast %jit3A_82 : i32 to vector<16xi32>
    %select_n3A_85 = arith.select %eq3A_81, %broadcast_in_dim3A_83, %broadcast_in_dim3A_84 : vector<16xi1>, vector<16xi32>
    %broadcast_in_dim3A_86 = vector.broadcast %scan3A_57#4 : i32 to vector<16xi32>
    %select_n3A_87 = arith.select %eq3A_78, %broadcast_in_dim3A_86, %select_n3A_85 : vector<16xi1>, vector<16xi32>
    %broadcast_in_dim3A_88 = vector.broadcast %scan3A_57#3 : i32 to vector<16xi32>
    %select_n3A_89 = arith.select %eq3A_75, %broadcast_in_dim3A_88, %select_n3A_87 : vector<16xi1>, vector<16xi32>
    %swap3A_90 = arith.constant 0 : index
    %swap3A_91 = tpu.vector_load %arg9[%swap3A_90] {strides = array<i32>} : memref<16xi32, #tpu.memory_space<vmem>>, vector<16xi32>,
    tpu.vector_store %arg9[%swap3A_90], %select_n3A_89 {strides = array<i32>} : memref<16xi32, #tpu.memory_space<vmem>>, vector<16xi32>,
    "tpu.region"() ({
      %run_scoped3A = tpu.sem_alloc : memref<!tpu.dma_semaphore, #tpu.memory_space<semaphore_mem>>
      %dma_start3A = arith.constant 0 : i32
      %dma_start3A_92 = tpu.memref_slice %arg4[%add3A, %dma_start3A] : memref<32x16xf32, #tpu.memory_space<hbm>> -> memref<1x16xf32, #tpu.memory_space<hbm>>
      %dma_start3A_93 = tpu.memref_squeeze %dma_start3A_92 : memref<1x16xf32, #tpu.memory_space<hbm>> -> memref<16xf32, #tpu.memory_space<hbm>>
      %dma_start3A_94 = arith.constant 0 : i32
      %dma_start3A_95 = tpu.memref_slice %arg4[%add3A, %dma_start3A_94] : memref<32x16xf32, #tpu.memory_space<hbm>> -> memref<1x16xf32, #tpu.memory_space<hbm>>
      %dma_start3A_96 = tpu.memref_squeeze %dma_start3A_95 : memref<1x16xf32, #tpu.memory_space<hbm>> -> memref<16xf32, #tpu.memory_space<hbm>>
      tpu.enqueue_dma source(%arg8 : memref<16xf32, #tpu.memory_space<vmem>>) target(%dma_start3A_96 : memref<16xf32, #tpu.memory_space<hbm>>) target_semaphore(%run_scoped3A : memref<!tpu.dma_semaphore, #tpu.memory_space<semaphore_mem>>)
      %dma_wait3A = arith.constant 0 : i32
      %dma_wait3A_97 = tpu.memref_slice %arg4[%add3A, %dma_wait3A] : memref<32x16xf32, #tpu.memory_space<hbm>> -> memref<1x16xf32, #tpu.memory_space<hbm>>
      %dma_wait3A_98 = tpu.memref_squeeze %dma_wait3A_97 : memref<1x16xf32, #tpu.memory_space<hbm>> -> memref<16xf32, #tpu.memory_space<hbm>>
      %dma_wait3A_99 = arith.constant 0 : i32
      %dma_wait3A_100 = tpu.memref_slice %arg4[%add3A, %dma_wait3A_99] : memref<32x16xf32, #tpu.memory_space<hbm>> -> memref<1x16xf32, #tpu.memory_space<hbm>>
      %dma_wait3A_101 = tpu.memref_squeeze %dma_wait3A_100 : memref<1x16xf32, #tpu.memory_space<hbm>> -> memref<16xf32, #tpu.memory_space<hbm>>
      tpu.wait_dma2 semaphore(%run_scoped3A : memref<!tpu.dma_semaphore, #tpu.memory_space<semaphore_mem>>) src(%arg8 : memref<16xf32, #tpu.memory_space<vmem>>) dst(%dma_wait3A_101 : memref<16xf32, #tpu.memory_space<hbm>>)
      tpu.yield
    }) : () -> ()
    "tpu.region"() ({
      %run_scoped3A = tpu.sem_alloc : memref<!tpu.dma_semaphore, #tpu.memory_space<semaphore_mem>>
      %dma_start3A = arith.constant 0 : i32
      %dma_start3A_92 = tpu.memref_slice %arg5[%add3A, %dma_start3A] : memref<32x16xi32, #tpu.memory_space<hbm>> -> memref<1x16xi32, #tpu.memory_space<hbm>>
      %dma_start3A_93 = tpu.memref_squeeze %dma_start3A_92 : memref<1x16xi32, #tpu.memory_space<hbm>> -> memref<16xi32, #tpu.memory_space<hbm>>
      %dma_start3A_94 = arith.constant 0 : i32
      %dma_start3A_95 = tpu.memref_slice %arg5[%add3A, %dma_start3A_94] : memref<32x16xi32, #tpu.memory_space<hbm>> -> memref<1x16xi32, #tpu.memory_space<hbm>>
      %dma_start3A_96 = tpu.memref_squeeze %dma_start3A_95 : memref<1x16xi32, #tpu.memory_space<hbm>> -> memref<16xi32, #tpu.memory_space<hbm>>
      tpu.enqueue_dma source(%arg9 : memref<16xi32, #tpu.memory_space<vmem>>) target(%dma_start3A_96 : memref<16xi32, #tpu.memory_space<hbm>>) target_semaphore(%run_scoped3A : memref<!tpu.dma_semaphore, #tpu.memory_space<semaphore_mem>>)
      %dma_wait3A = arith.constant 0 : i32
      %dma_wait3A_97 = tpu.memref_slice %arg5[%add3A, %dma_wait3A] : memref<32x16xi32, #tpu.memory_space<hbm>> -> memref<1x16xi32, #tpu.memory_space<hbm>>
      %dma_wait3A_98 = tpu.memref_squeeze %dma_wait3A_97 : memref<1x16xi32, #tpu.memory_space<hbm>> -> memref<16xi32, #tpu.memory_space<hbm>>
      %dma_wait3A_99 = arith.constant 0 : i32
      %dma_wait3A_100 = tpu.memref_slice %arg5[%add3A, %dma_wait3A_99] : memref<32x16xi32, #tpu.memory_space<hbm>> -> memref<1x16xi32, #tpu.memory_space<hbm>>
      %dma_wait3A_101 = tpu.memref_squeeze %dma_wait3A_100 : memref<1x16xi32, #tpu.memory_space<hbm>> -> memref<16xi32, #tpu.memory_space<hbm>>
      tpu.wait_dma2 semaphore(%run_scoped3A : memref<!tpu.dma_semaphore, #tpu.memory_space<semaphore_mem>>) src(%arg9 : memref<16xi32, #tpu.memory_space<vmem>>) dst(%dma_wait3A_101 : memref<16xi32, #tpu.memory_space<hbm>>)
      tpu.yield
    }) : () -> ()
    return
  }
}

module attributes {stable_mosaic.version = 14 : i64} {
  func.func @_pass1_body(%arg0: i32, %arg1: memref<384x784xf32, #tpu.memory_space<vmem>>, %arg2: memref<384x784xbf16, #tpu.memory_space<vmem>>, %arg3: memref<384x784xbf16, #tpu.memory_space<vmem>>, %arg4: memref<2000x384xf32, #tpu.memory_space<vmem>>, %arg5: memref<1x784xf32, #tpu.memory_space<vmem>>, %arg6: memref<1x1xi32, #tpu.memory_space<vmem>>, %arg7: memref<1x1xi32, #tpu.memory_space<vmem>>, %arg8: memref<1x1xf32, #tpu.memory_space<vmem>>, %arg9: memref<1x784xf32, #tpu.memory_space<vmem>>, %arg10: memref<1x784xi32, #tpu.memory_space<vmem>>, %arg11: memref<2000x784xf32, #tpu.memory_space<vmem>>, %arg12: memref<2000x1xf32, #tpu.memory_space<vmem>>) attributes {dimension_semantics = [#tpu.dimension_semantics<arbitrary>], iteration_bounds = array<i64: 51>, scalar_prefetch = 0 : i64, scratch_operands = 4 : i64, tpu.core_type = #tpu.core_type<tc>, window_params = [{pipeline_mode = #tpu.pipeline_mode<synchronous>, transform_indices = @transform_0, window_bounds = array<i64: 384, 784>}, {pipeline_mode = #tpu.pipeline_mode<synchronous>, transform_indices = @transform_1, window_bounds = array<i64: 384, 784>}, {pipeline_mode = #tpu.pipeline_mode<synchronous>, transform_indices = @transform_2, window_bounds = array<i64: 384, 784>}, {transform_indices = @transform_3, window_bounds = array<i64: 2000, 384>}, {pipeline_mode = #tpu.pipeline_mode<synchronous>, transform_indices = @transform_4, window_bounds = array<i64: 1, 784>}, {pipeline_mode = #tpu.pipeline_mode<synchronous>, transform_indices = @transform_5, window_bounds = array<i64: 1, 1>}, {pipeline_mode = #tpu.pipeline_mode<synchronous>, transform_indices = @transform_6, window_bounds = array<i64: 1, 1>}, {pipeline_mode = #tpu.pipeline_mode<synchronous>, transform_indices = @transform_7, window_bounds = array<i64: 1, 1>}]} {
    %get3A = arith.constant 0 : index
    %get3A_0 = arith.constant 0 : index
    %get3A_1 = vector.load %arg4[%get3A, %get3A_0] : memref<2000x384xf32, #tpu.memory_space<vmem>>, vector<2000x384xf32>
    %get3A_2 = arith.constant 0 : index
    %get3A_3 = arith.constant 0 : index
    %get3A_4 = vector.load %arg1[%get3A_2, %get3A_3] : memref<384x784xf32, #tpu.memory_space<vmem>>, vector<384x784xf32>
    %eq3A = arith.constant 0 : i32
    %eq3A_5 = arith.cmpi eq, %arg0, %eq3A : i32
    %convert_element_type3A = arith.extui %eq3A_5 : i1 to i32
    %cond3A = arith.constant 0 : i32
    %cond3A_6 = arith.cmpi ne, %convert_element_type3A, %cond3A : i32
    scf.if %cond3A_6 {
      %broadcast_in_dim3A_77 = arith.constant 0x7F800000 : f32
      %broadcast_in_dim3A_78 = vector.broadcast %broadcast_in_dim3A_77 : f32 to vector<1x784xf32>
      %swap3A_79 = arith.constant 0 : index
      %swap3A_80 = arith.constant 0 : index
      %swap3A_81 = vector.load %arg9[%swap3A_79, %swap3A_80] : memref<1x784xf32, #tpu.memory_space<vmem>>, vector<1x784xf32>
      tpu.vector_store %arg9[%swap3A_79, %swap3A_80], %broadcast_in_dim3A_78 {strides = array<i32>} : memref<1x784xf32, #tpu.memory_space<vmem>>, vector<1x784xf32>,
      %broadcast_in_dim3A_82 = arith.constant 1073741824 : i32
      %broadcast_in_dim3A_83 = vector.broadcast %broadcast_in_dim3A_82 : i32 to vector<1x784xi32>
      %swap3A_84 = arith.constant 0 : index
      %swap3A_85 = arith.constant 0 : index
      %swap3A_86 = vector.load %arg10[%swap3A_84, %swap3A_85] : memref<1x784xi32, #tpu.memory_space<vmem>>, vector<1x784xi32>
      tpu.vector_store %arg10[%swap3A_84, %swap3A_85], %broadcast_in_dim3A_83 {strides = array<i32>} : memref<1x784xi32, #tpu.memory_space<vmem>>, vector<1x784xi32>,
    } else {
    }
    %get3A_7 = arith.constant 0 : index
    %get3A_8 = arith.constant 0 : index
    %get3A_9 = vector.load %arg12[%get3A_7, %get3A_8] : memref<2000x1xf32, #tpu.memory_space<vmem>>, vector<2000x1xf32>
    %get3A_10 = arith.constant 0 : index
    %get3A_11 = arith.constant 0 : index
    %get3A_12 = vector.load %arg11[%get3A_10, %get3A_11] : memref<2000x784xf32, #tpu.memory_space<vmem>>, vector<2000x784xf32>
    %mul3A = arith.constant 2.000000e+00 : f32
    %mul3A_13 = vector.broadcast %mul3A : f32 to vector<2000x784xf32>
    %mul3A_14 = arith.mulf %mul3A_13, %get3A_12 : vector<2000x784xf32>
    %sub3A = vector.broadcast %get3A_9 : vector<2000x1xf32> to vector<2000x784xf32>
    %sub3A_15 = arith.subf %sub3A, %mul3A_14 : vector<2000x784xf32>
    %reduce_min3A = arith.constant dense<0x7F800000> : vector<784xf32>
    %reduce_min3A_16 = vector.multi_reduction <minimumf>, %sub3A_15, %reduce_min3A [0] : vector<2000x784xf32> to vector<784xf32>
    %broadcast_in_dim3A = vector.shape_cast %reduce_min3A_16 : vector<784xf32> to vector<1x784xf32>
    %iota3A = tpu.iota {dimensions = array<i32: 0>} : vector<2000x784xi32>
    %sub3A_17 = arith.constant 1 : i32
    %sub3A_18 = arith.subi %arg0, %sub3A_17 : i32
    %mul3A_19 = arith.constant 2000 : i32
    %mul3A_20 = arith.muli %sub3A_18, %mul3A_19 : i32
    %add3A = vector.broadcast %mul3A_20 : i32 to vector<2000x784xi32>
    %add3A_21 = arith.addi %iota3A, %add3A : vector<2000x784xi32>
    %eq3A_22 = vector.broadcast %broadcast_in_dim3A : vector<1x784xf32> to vector<2000x784xf32>
    %eq3A_23 = arith.cmpf oeq, %sub3A_15, %eq3A_22 : vector<2000x784xf32>
    %jit3A = arith.constant 1073741824 : i32
    %broadcast_in_dim3A_24 = vector.broadcast %jit3A : i32 to vector<2000x784xi32>
    %select_n3A = arith.select %eq3A_23, %add3A_21, %broadcast_in_dim3A_24 : vector<2000x784xi1>, vector<2000x784xi32>
    %reduce_min3A_25 = arith.constant dense<2147483647> : vector<784xi32>
    %reduce_min3A_26 = vector.multi_reduction <minsi>, %select_n3A, %reduce_min3A_25 [0] : vector<2000x784xi32> to vector<784xi32>
    %broadcast_in_dim3A_27 = vector.shape_cast %reduce_min3A_26 : vector<784xi32> to vector<1x784xi32>
    %get3A_28 = arith.constant 0 : index
    %get3A_29 = arith.constant 0 : index
    %get3A_30 = vector.load %arg9[%get3A_28, %get3A_29] : memref<1x784xf32, #tpu.memory_space<vmem>>, vector<1x784xf32>
    %lt3A = arith.cmpf olt, %broadcast_in_dim3A, %get3A_30 : vector<1x784xf32>
    %gt3A = arith.constant 0 : i32
    %gt3A_31 = arith.cmpi sgt, %arg0, %gt3A : i32
    %and3A = vector.broadcast %gt3A_31 : i1 to vector<1x784xi1>
    %and3A_32 = arith.andi %lt3A, %and3A : vector<1x784xi1>
    %get3A_33 = arith.constant 0 : index
    %get3A_34 = arith.constant 0 : index
    %get3A_35 = vector.load %arg9[%get3A_33, %get3A_34] : memref<1x784xf32, #tpu.memory_space<vmem>>, vector<1x784xf32>
    %select_n3A_36 = arith.select %and3A_32, %broadcast_in_dim3A, %get3A_35 : vector<1x784xi1>, vector<1x784xf32>
    %get3A_37 = arith.constant 0 : index
    %get3A_38 = arith.constant 0 : index
    %get3A_39 = vector.load %arg10[%get3A_37, %get3A_38] : memref<1x784xi32, #tpu.memory_space<vmem>>, vector<1x784xi32>
    %select_n3A_40 = arith.select %and3A_32, %broadcast_in_dim3A_27, %get3A_39 : vector<1x784xi1>, vector<1x784xi32>
    %swap3A = arith.constant 0 : index
    %swap3A_41 = arith.constant 0 : index
    %swap3A_42 = vector.load %arg9[%swap3A, %swap3A_41] : memref<1x784xf32, #tpu.memory_space<vmem>>, vector<1x784xf32>
    tpu.vector_store %arg9[%swap3A, %swap3A_41], %select_n3A_36 {strides = array<i32>} : memref<1x784xf32, #tpu.memory_space<vmem>>, vector<1x784xf32>,
    %swap3A_43 = arith.constant 0 : index
    %swap3A_44 = arith.constant 0 : index
    %swap3A_45 = vector.load %arg10[%swap3A_43, %swap3A_44] : memref<1x784xi32, #tpu.memory_space<vmem>>, vector<1x784xi32>
    tpu.vector_store %arg10[%swap3A_43, %swap3A_44], %select_n3A_40 {strides = array<i32>} : memref<1x784xi32, #tpu.memory_space<vmem>>, vector<1x784xi32>,
    %convert_element_type3A_46 = arith.truncf %get3A_1 : vector<2000x384xf32> to vector<2000x384xbf16>
    %convert_element_type3A_47 = arith.extf %convert_element_type3A_46 : vector<2000x384xbf16> to vector<2000x384xf32>
    %sub3A_48 = arith.subf %get3A_1, %convert_element_type3A_47 : vector<2000x384xf32>
    %convert_element_type3A_49 = arith.truncf %sub3A_48 : vector<2000x384xf32> to vector<2000x384xbf16>
    %get3A_50 = arith.constant 0 : index
    %get3A_51 = arith.constant 0 : index
    %get3A_52 = vector.load %arg2[%get3A_50, %get3A_51] : memref<384x784xbf16, #tpu.memory_space<vmem>>, vector<384x784xbf16>
    %get3A_53 = arith.constant 0 : index
    %get3A_54 = arith.constant 0 : index
    %get3A_55 = vector.load %arg3[%get3A_53, %get3A_54] : memref<384x784xbf16, #tpu.memory_space<vmem>>, vector<384x784xbf16>
    %dot_general3A = arith.constant dense<0.000000e+00> : vector<2000x784xf32>
    %dot_general3A_56 = tpu.matmul %convert_element_type3A_46, %get3A_52, %dot_general3A {dimension_numbers = #tpu.dot_dimension_numbers<[1], [0], [0], [1], [0, 0, 1, 1], [], []>, transpose_lhs_hint = false} : vector<2000x384xbf16>, vector<384x784xbf16>, vector<2000x784xf32> -> vector<2000x784xf32>
    %dot_general3A_57 = arith.constant dense<0.000000e+00> : vector<2000x784xf32>
    %dot_general3A_58 = tpu.matmul %convert_element_type3A_46, %get3A_55, %dot_general3A_57 {dimension_numbers = #tpu.dot_dimension_numbers<[1], [0], [0], [1], [0, 0, 1, 1], [], []>, transpose_lhs_hint = false} : vector<2000x384xbf16>, vector<384x784xbf16>, vector<2000x784xf32> -> vector<2000x784xf32>
    %add3A_59 = arith.addf %dot_general3A_56, %dot_general3A_58 : vector<2000x784xf32>
    %dot_general3A_60 = arith.constant dense<0.000000e+00> : vector<2000x784xf32>
    %dot_general3A_61 = tpu.matmul %convert_element_type3A_49, %get3A_52, %dot_general3A_60 {dimension_numbers = #tpu.dot_dimension_numbers<[1], [0], [0], [1], [0, 0, 1, 1], [], []>, transpose_lhs_hint = false} : vector<2000x384xbf16>, vector<384x784xbf16>, vector<2000x784xf32> -> vector<2000x784xf32>
    %add3A_62 = arith.addf %add3A_59, %dot_general3A_61 : vector<2000x784xf32>
    %swap3A_63 = arith.constant 0 : index
    %swap3A_64 = arith.constant 0 : index
    %swap3A_65 = vector.load %arg11[%swap3A_63, %swap3A_64] : memref<2000x784xf32, #tpu.memory_space<vmem>>, vector<2000x784xf32>
    tpu.vector_store %arg11[%swap3A_63, %swap3A_64], %add3A_62 {strides = array<i32>} : memref<2000x784xf32, #tpu.memory_space<vmem>>, vector<2000x784xf32>,
    %mul3A_66 = arith.mulf %get3A_1, %get3A_1 : vector<2000x384xf32>
    %reduce_sum3A = arith.constant dense<0.000000e+00> : vector<2000xf32>
    %reduce_sum3A_67 = vector.multi_reduction <add>, %mul3A_66, %reduce_sum3A [1] : vector<2000x384xf32> to vector<2000xf32>
    %broadcast_in_dim3A_68 = vector.shape_cast %reduce_sum3A_67 : vector<2000xf32> to vector<2000x1xf32>
    %swap3A_69 = arith.constant 0 : index
    %swap3A_70 = arith.constant 0 : index
    %swap3A_71 = vector.load %arg12[%swap3A_69, %swap3A_70] : memref<2000x1xf32, #tpu.memory_space<vmem>>, vector<2000x1xf32>
    tpu.vector_store %arg12[%swap3A_69, %swap3A_70], %broadcast_in_dim3A_68 {strides = array<i32>} : memref<2000x1xf32, #tpu.memory_space<vmem>>, vector<2000x1xf32>,
    %eq3A_72 = arith.constant 50 : i32
    %eq3A_73 = arith.cmpi eq, %arg0, %eq3A_72 : i32
    %convert_element_type3A_74 = arith.extui %eq3A_73 : i1 to i32
    %cond3A_75 = arith.constant 0 : i32
    %cond3A_76 = arith.cmpi ne, %convert_element_type3A_74, %cond3A_75 : i32
    scf.if %cond3A_76 {
      %broadcast_in_dim3A_77 = arith.constant 1.000000e+00 : f32
      %broadcast_in_dim3A_78 = vector.broadcast %broadcast_in_dim3A_77 : f32 to vector<1x384xf32>
      %mul3A_79 = arith.mulf %get3A_4, %get3A_4 : vector<384x784xf32>
      %dot_general3A_80 = arith.constant dense<0.000000e+00> : vector<1x784xf32>
      %dot_general3A_81 = tpu.matmul %broadcast_in_dim3A_78, %mul3A_79, %dot_general3A_80 {dimension_numbers = #tpu.dot_dimension_numbers<[1], [0], [0], [1], [0, 0, 1, 1], [], []>, precision = #tpu.contract_precision<fp32>, transpose_lhs_hint = false} : vector<1x384xf32>, vector<384x784xf32>, vector<1x784xf32> -> vector<1x784xf32>
      %add3A_82 = arith.addf %select_n3A_36, %dot_general3A_81 : vector<1x784xf32>
      %max3A = arith.constant 9.99999996E-13 : f32
      %max3A_83 = vector.broadcast %max3A : f32 to vector<1x784xf32>
      %max3A_84 = arith.maximumf %add3A_82, %max3A_83 : vector<1x784xf32>
      %sqrt3A = math.sqrt %max3A_84 : vector<1x784xf32>
      %swap3A_85 = arith.constant 0 : index
      %swap3A_86 = arith.constant 0 : index
      %swap3A_87 = vector.load %arg5[%swap3A_85, %swap3A_86] : memref<1x784xf32, #tpu.memory_space<vmem>>, vector<1x784xf32>
      tpu.vector_store %arg5[%swap3A_85, %swap3A_86], %sqrt3A {strides = array<i32>} : memref<1x784xf32, #tpu.memory_space<vmem>>, vector<1x784xf32>,
      %reduce_max3A = arith.constant dense<0xFF800000> : vector<1xf32>
      %reduce_max3A_88 = vector.multi_reduction <maximumf>, %sqrt3A, %reduce_max3A [1] : vector<1x784xf32> to vector<1xf32>
      %broadcast_in_dim3A_89 = vector.shape_cast %reduce_max3A_88 : vector<1xf32> to vector<1x1xf32>
      %iota3A_90 = tpu.iota {dimensions = array<i32: 1>} : vector<1x784xi32>
      %eq3A_91 = vector.broadcast %broadcast_in_dim3A_89 : vector<1x1xf32> to vector<1x784xf32>
      %eq3A_92 = arith.cmpf oeq, %sqrt3A, %eq3A_91 : vector<1x784xf32>
      %jit3A_93 = arith.constant 1073741824 : i32
      %broadcast_in_dim3A_94 = vector.broadcast %jit3A_93 : i32 to vector<1x784xi32>
      %select_n3A_95 = arith.select %eq3A_92, %iota3A_90, %broadcast_in_dim3A_94 : vector<1x784xi1>, vector<1x784xi32>
      %reduce_min3A_96 = arith.constant dense<2147483647> : vector<1xi32>
      %reduce_min3A_97 = vector.multi_reduction <minsi>, %select_n3A_95, %reduce_min3A_96 [1] : vector<1x784xi32> to vector<1xi32>
      %broadcast_in_dim3A_98 = vector.shape_cast %reduce_min3A_97 : vector<1xi32> to vector<1x1xi32>
      %swap3A_99 = arith.constant 0 : index
      %swap3A_100 = arith.constant 0 : index
      %swap3A_101 = vector.load %arg7[%swap3A_99, %swap3A_100] : memref<1x1xi32, #tpu.memory_space<vmem>>, vector<1x1xi32>
      tpu.vector_store %arg7[%swap3A_99, %swap3A_100], %broadcast_in_dim3A_98 {strides = array<i32>} : memref<1x1xi32, #tpu.memory_space<vmem>>, vector<1x1xi32>,
      %swap3A_102 = arith.constant 0 : index
      %swap3A_103 = arith.constant 0 : index
      %swap3A_104 = vector.load %arg8[%swap3A_102, %swap3A_103] : memref<1x1xf32, #tpu.memory_space<vmem>>, vector<1x1xf32>
      tpu.vector_store %arg8[%swap3A_102, %swap3A_103], %broadcast_in_dim3A_89 {strides = array<i32>} : memref<1x1xf32, #tpu.memory_space<vmem>>, vector<1x1xf32>,
      %eq3A_105 = vector.broadcast %broadcast_in_dim3A_98 : vector<1x1xi32> to vector<1x784xi32>
      %eq3A_106 = arith.cmpi eq, %iota3A_90, %eq3A_105 : vector<1x784xi32>
      %jit3A_107 = arith.constant 1073741824 : i32
      %broadcast_in_dim3A_108 = vector.broadcast %jit3A_107 : i32 to vector<1x784xi32>
      %select_n3A_109 = arith.select %eq3A_106, %select_n3A_40, %broadcast_in_dim3A_108 : vector<1x784xi1>, vector<1x784xi32>
      %reduce_min3A_110 = arith.constant dense<2147483647> : vector<1xi32>
      %reduce_min3A_111 = vector.multi_reduction <minsi>, %select_n3A_109, %reduce_min3A_110 [1] : vector<1x784xi32> to vector<1xi32>
      %broadcast_in_dim3A_112 = vector.shape_cast %reduce_min3A_111 : vector<1xi32> to vector<1x1xi32>
      %swap3A_113 = arith.constant 0 : index
      %swap3A_114 = arith.constant 0 : index
      %swap3A_115 = vector.load %arg6[%swap3A_113, %swap3A_114] : memref<1x1xi32, #tpu.memory_space<vmem>>, vector<1x1xi32>
      tpu.vector_store %arg6[%swap3A_113, %swap3A_114], %broadcast_in_dim3A_112 {strides = array<i32>} : memref<1x1xi32, #tpu.memory_space<vmem>>, vector<1x1xi32>,
    } else {
    }
    return
  }
  func.func @transform_0(%arg0: i32) -> (i32, i32) {
    %c0_i32 = arith.constant 0 : i32
    %c0_i32_0 = arith.constant 0 : i32
    %c0_i32_1 = arith.constant 0 : i32
    return %c0_i32, %c0_i32_0 : i32, i32
  }
  func.func @transform_1(%arg0: i32) -> (i32, i32) {
    %c0_i32 = arith.constant 0 : i32
    %c0_i32_0 = arith.constant 0 : i32
    %c0_i32_1 = arith.constant 0 : i32
    return %c0_i32, %c0_i32_0 : i32, i32
  }
  func.func @transform_2(%arg0: i32) -> (i32, i32) {
    %c0_i32 = arith.constant 0 : i32
    %c0_i32_0 = arith.constant 0 : i32
    %c0_i32_1 = arith.constant 0 : i32
    return %c0_i32, %c0_i32_0 : i32, i32
  }
  func.func @transform_3(%arg0: i32) -> (i32, i32) {
    %min3A = arith.constant 49 : i32
    %min3A_0 = arith.minsi %arg0, %min3A : i32
    %c0_i32 = arith.constant 0 : i32
    %c0_i32_1 = arith.constant 0 : i32
    return %min3A_0, %c0_i32 : i32, i32
  }
  func.func @transform_4(%arg0: i32) -> (i32, i32) {
    %c0_i32 = arith.constant 0 : i32
    %c0_i32_0 = arith.constant 0 : i32
    %c0_i32_1 = arith.constant 0 : i32
    return %c0_i32, %c0_i32_0 : i32, i32
  }
  func.func @transform_5(%arg0: i32) -> (i32, i32) {
    %c0_i32 = arith.constant 0 : i32
    %c0_i32_0 = arith.constant 0 : i32
    %c0_i32_1 = arith.constant 0 : i32
    return %c0_i32, %c0_i32_0 : i32, i32
  }
  func.func @transform_6(%arg0: i32) -> (i32, i32) {
    %c0_i32 = arith.constant 0 : i32
    %c0_i32_0 = arith.constant 0 : i32
    %c0_i32_1 = arith.constant 0 : i32
    return %c0_i32, %c0_i32_0 : i32, i32
  }
  func.func @transform_7(%arg0: i32) -> (i32, i32) {
    %c0_i32 = arith.constant 0 : i32
    %c0_i32_0 = arith.constant 0 : i32
    %c0_i32_1 = arith.constant 0 : i32
    return %c0_i32, %c0_i32_0 : i32, i32
  }
}

module attributes {stable_mosaic.version = 14 : i64} {
  func.func @_smap_body(%arg0: memref<28x28xf32, #tpu.memory_space<vmem>>, %arg1: memref<224x28xf32, #tpu.memory_space<vmem>>, %arg2: memref<28x224xf32, #tpu.memory_space<vmem>>, %arg3: memref<224x224xf32, #tpu.memory_space<vmem>>) attributes {dimension_semantics = [], scalar_prefetch = 0 : i64, scratch_operands = 0 : i64, tpu.core_type = #tpu.core_type<tc>} {
    %get3A = arith.constant 0 : index
    %get3A_0 = arith.constant 0 : index
    %get3A_1 = vector.load %arg1[%get3A, %get3A_0] : memref<224x28xf32, #tpu.memory_space<vmem>>, vector<224x28xf32>
    %get3A_2 = arith.constant 0 : index
    %get3A_3 = arith.constant 0 : index
    %get3A_4 = vector.load %arg0[%get3A_2, %get3A_3] : memref<28x28xf32, #tpu.memory_space<vmem>>, vector<28x28xf32>
    %dot_general3A = arith.constant dense<0.000000e+00> : vector<224x28xf32>
    %dot_general3A_5 = tpu.matmul %get3A_1, %get3A_4, %dot_general3A {dimension_numbers = #tpu.dot_dimension_numbers<[1], [0], [0], [1], [0, 0, 1, 1], [], []>, precision = #tpu.contract_precision<fp32>, transpose_lhs_hint = false} : vector<224x28xf32>, vector<28x28xf32>, vector<224x28xf32> -> vector<224x28xf32>
    %get3A_6 = arith.constant 0 : index
    %get3A_7 = arith.constant 0 : index
    %get3A_8 = vector.load %arg2[%get3A_6, %get3A_7] : memref<28x224xf32, #tpu.memory_space<vmem>>, vector<28x224xf32>
    %dot_general3A_9 = arith.constant dense<0.000000e+00> : vector<224x224xf32>
    %dot_general3A_10 = tpu.matmul %dot_general3A_5, %get3A_8, %dot_general3A_9 {dimension_numbers = #tpu.dot_dimension_numbers<[1], [0], [0], [1], [0, 0, 1, 1], [], []>, precision = #tpu.contract_precision<fp32>, transpose_lhs_hint = false} : vector<224x28xf32>, vector<28x224xf32>, vector<224x224xf32> -> vector<224x224xf32>
    %swap3A = arith.constant 0 : index
    %swap3A_11 = arith.constant 0 : index
    %swap3A_12 = vector.load %arg3[%swap3A, %swap3A_11] : memref<224x224xf32, #tpu.memory_space<vmem>>, vector<224x224xf32>
    tpu.vector_store %arg3[%swap3A, %swap3A_11], %dot_general3A_10 {strides = array<i32>} : memref<224x224xf32, #tpu.memory_space<vmem>>, vector<224x224xf32>,
    return
  }
}

</mosaic_0001>

<sc_bundles>
// kernel: kernel.5.cloned.1.call-start
scs
__scs_entry_jumppad:
0x0: {  	(pc) =	sbr.rel $0x88, $3  }
0x1: {  	(tag) =	ssettag $0x0;
	lr =	simm.s32 $0x1  }
0x2: {  	[smem:$0x3F9F] =	sst lr;
	_ =	strace $0xD0000000  }
0x3: {  	_ = 	snop  }
0x4: {  	_ = 	snop  }
0x5: {  	_ = 	snop  }
0x6: {  	_ = 	snop  }
0x7: {  	_ = 	snop  }
__scs_overlays_trampoline_lowered:
0x8: {  	[smem:$0x3FAE] =	sst s0  }
0x9: {  	[smem:$0x3FAF] =	sst s1  }
0xa: {  	[smem:$0x3FB0] =	sst s2  }
0xb: {  	[smem:$0x3FB1] =	sst s3  }
0xc: {  	[smem:$0x3FB2] =	sst s4  }
0xd: {  	[smem:$0x3FB3] =	sst s5  }
0xe: {  	[smem:$0x3FB4] =	sst s6  }
0xf: {  	[smem:$0x3FB5] =	sst s7  }
0x10: {  	[smem:$0x3FB6] =	sst s8  }
0x11: {  	[smem:$0x3FB7] =	sst s9;
	s0 =	simm.s32 @!p0 $0x0  }
0x12: {  	s1 =	sld [smem:$0x3F9D];
	s0 =	simm.s32 @p0 $0x1  }
0x13: {  	[smem:$0x3FB8] =	sst s0;
	s0 =	simm.s32 @!p1 $0x0  }
0x14: {  	s2 =	sld [smem:$0x3F9C];
	s0 =	simm.s32 @p1 $0x1  }
0x15: {  	[smem:$0x3FB9] =	sst s0;
	s0 =	simm.s32 @!p2 $0x0  }
0x16: {  	s3 =	sld [smem:$0x3FDB];
	s0 =	simm.s32 @p2 $0x1  }
0x17: {  	s4 =	simm.s32 $0x1BF5;
	[smem:$0x3FBB] =	sst s0  }
0x18: {  	s0 =	sld [smem:$0x3F9E];
	_ =	swait.ge [sflag:s4], $0x0  }
0x19: {  	s7 =	sld [smem:$0x3F9F]  }
0x1a: {  	s8 =	sadd.s32 $0xFFFFE003, lr  }
0x1b: {  	s9 =	sadd.s32 $0xFFFFFEF7, lr;
	s5 =	simm.s32 $0xFFFFFFFF;
	p2 =	slt.u32 s8, $0xFFFFF086  }
0x1c: {  	p1 =	slt.u32 s9, $0xF7A;
	s5 =	simm.s32 @!p2 $0x0  }
0x1d: {  	s5 =	simm.s32 @p1 $0x1;
	p0 =	seq.s32 s7, s2  }
0x1e: {  	s7 =	smul.u32 @!p0 $0xF7A, s2;
	p2 =	seq.s32 @!p0 s5, $0x0  }
0x1f: {  	s9 =	smul.u32 $0xF7A, s1;
	s8 =	simm.s32 @!p0 $0x1BF5;
	p2 =	por !p2, p0  }
0x20: {  	[sflag:s8] =	ssyncset.s32 @!p0 $0xFFFFF086;
	s6 =	sadd.s32 @!p0 s3, s7;
	s7 =	simm.s32 @!p0 $0x108  }
0x21: {  	s3 =	sadd.s32 s3, s9;
	s6 =	sadd.s32 @!p0 $0x88, s6;
	s7 =	simm.s32 @p2 $0x1082  }
0x22: {  	[simem:s7], [sflag:s8] =	dma.local @!p0 [hbm:s6], $0xF7A  }
0x23: {  	s9 =	sor.u32 $0xD0000000, s2;
	s6 =	simm.s32 $0x108;
	_ =	swait.ge @!p0 [sflag:s8], $0x0  }
0x24: {  	s3 =	sadd.s32 $0x88, s3;
	s6 =	simm.s32 @!p1 $0x1082;
	[sflag:s4] =	ssyncset.s32 $0xFFFFF086  }
0x25: {  	[simem:s6], [sflag:s4] =	dma.local [hbm:s3], $0xF7A  }
0x26: {  	[smem:$0x3F9F] =	sst s1;
	(tag) =	ssettag s2;
	_ =	strace s9  }
0x27: {  	s1 =	sld [smem:$0x3FAF]  }
0x28: {  	s2 =	sld [smem:$0x3FB0]  }
0x29: {  	s4 =	sld [smem:$0x3FB2]  }
0x2a: {  	p0 =	seq.s32 s5, $0x0;
	s5 =	sld [smem:$0x3FB3]  }
0x2b: {  	s6 =	sld [smem:$0x3FB4]  }
0x2c: {  	s7 =	sld [smem:$0x3FB5]  }
0x2d: {  	s3 =	simm.s32 $0x108;
	s8 =	sld [smem:$0x3FB6]  }
0x2e: {  	s3 =	simm.s32 @!p0 $0x1082;
	s9 =	sld [smem:$0x3FB7]  }
0x2f: {  	lr =	sadd.s32 s0, s3;
	s0 =	sld [smem:$0x3FAE]  }
0x30: {  	s3 =	sld [smem:$0x3FB1]  }
0x31: {  	[smem:$0x3FBA] =	sst s10  }
0x32: {  	s10 =	sld [smem:$0x3FB8];
	_ =	sdelay $0x3  }
0x33: {  	p0 =	seq.s32 s10, $0x1;
	s10 =	sld [smem:$0x3FBA];
	_ =	sdelay $0x3  }
0x34: {  	[smem:$0x3FBA] =	sst s10  }
0x35: {  	s10 =	sld [smem:$0x3FB9];
	_ =	sdelay $0x3  }
0x36: {  	p1 =	seq.s32 s10, $0x1;
	s10 =	sld [smem:$0x3FBA];
	_ =	sdelay $0x3  }
0x37: {  	[smem:$0x3FBA] =	sst s10  }
0x38: {  	s10 =	sld [smem:$0x3FBB]  }
0x39: {  	_ = 	snop;
	(pc) =	sbr.ind lr, $3  }
0x3a: {  	_ = 	snop  }
0x3b: {  	_ = 	snop  }
0x3c: {  	p2 =	seq.s32 s10, $0x1;
	s10 =	sld [smem:$0x3FBA]  }
0x3d: {  	_ =	shalt  }
0x3e: {  	_ =	shalt  }
0x3f: {  	_ =	shalt  }
0x40: {  	_ =	shalt  }
0x41: {  	_ =	shalt  }
0x42: {  	_ =	shalt  }
0x43: {  	_ =	shalt  }
0x44: {  	_ =	shalt  }
0x45: {  	_ =	shalt  }
0x46: {  	_ =	shalt  }
0x47: {  	_ =	shalt  }
0x48: {  	_ =	shalt  }
0x49: {  	_ =	shalt  }
0x4a: {  	_ =	shalt  }
0x4b: {  	_ =	shalt  }
0x4c: {  	_ =	shalt  }
0x4d: {  	_ =	shalt  }
0x4e: {  	_ =	shalt  }
0x4f: {  	_ =	shalt  }
0x50: {  	_ =	shalt  }
0x51: {  	_ =	shalt  }
0x52: {  	_ =	shalt  }
0x53: {  	_ =	shalt  }
0x54: {  	_ =	shalt  }
0x55: {  	_ =	shalt  }
0x56: {  	_ =	shalt  }
0x57: {  	_ =	shalt  }
0x58: {  	_ =	shalt  }
0x59: {  	_ =	shalt  }
0x5a: {  	_ =	shalt  }
0x5b: {  	_ =	shalt  }
0x5c: {  	_ =	shalt  }
0x5d: {  	_ =	shalt  }
0x5e: {  	_ =	shalt  }
0x5f: {  	_ =	shalt  }
0x60: {  	_ =	shalt  }
0x61: {  	_ =	shalt  }
0x62: {  	_ =	shalt  }
0x63: {  	_ =	shalt  }
0x64: {  	_ =	shalt  }
0x65: {  	_ =	shalt  }
0x66: {  	_ =	shalt  }
0x67: {  	_ =	shalt  }
0x68: {  	_ =	shalt  }
0x69: {  	_ =	shalt  }
0x6a: {  	_ =	shalt  }
0x6b: {  	_ =	shalt  }
0x6c: {  	_ =	shalt  }
0x6d: {  	_ =	shalt  }
0x6e: {  	_ =	shalt  }
0x6f: {  	_ =	shalt  }
0x70: {  	_ =	shalt  }
0x71: {  	_ =	shalt  }
0x72: {  	_ =	shalt  }
0x73: {  	_ =	shalt  }
0x74: {  	_ =	shalt  }
0x75: {  	_ =	shalt  }
0x76: {  	_ =	shalt  }
0x77: {  	_ =	shalt  }
0x78: {  	_ =	shalt  }
0x79: {  	_ =	shalt  }
0x7a: {  	_ =	shalt  }
0x7b: {  	_ =	shalt  }
0x7c: {  	_ =	shalt  }
0x7d: {  	_ =	shalt  }
0x7e: {  	_ =	shalt  }
0x7f: {  	_ =	shalt  }
0x80: {  	_ =	shalt  }
0x81: {  	_ =	shalt  }
0x82: {  	_ =	shalt  }
0x83: {  	_ =	shalt  }
0x84: {  	_ =	shalt  }
0x85: {  	_ =	shalt  }
0x86: {  	_ =	shalt  }
0x87: {  	_ =	shalt  }
.Lfunc_end0:
.L_simem_size_0:
called_computation_lowered:
.L_overlay_start_0:
0x88: {  	s2 =	sld [smem:$0x3FD9]  }
0x89: {  	s3 =	sld [smem:$0x3FFE];
	_ =	sdelay $0x1  }
0x8a: {  	s1 =	srdreg.scid  }
0x8b: {  	s0 =	sand.u32 $0x1, s1  }
0x8c: {  	s17 =	sshll.u32 s0, $0xA;
	s2 =	sadd.s32 s3, s2  }
0x8d: {  	s2 =	sadd.s32 s2, s17  }
0x8e: {  	[smem:$0x3FC6] =	sst s2  }
0x8f: {  	_ = 	snop  }
0x90: {  	s2 =	sld [smem:$0x3FC8];
	(tm) =	ssettm $0x1  }
0x91: {  	s18 =	sld [smem:$0x3FFB];
	_ =	sdelay $0x3  }
0x92: {  	_ =	strace s18  }
0x93: {  	s3 =	sld [smem:$0x3FFC];
	_ =	sdelay $0x3  }
0x94: {  	_ =	strace s3  }
0x95: {  	s3 =	sld [smem:$0x3FFD];
	_ =	sdelay $0x3  }
0x96: {  	_ =	strace s3  }
0x97: {  	_ =	strace $0x8FFFFFFF  }
0x98: {  	s19 =	sld [smem:$0x3FDB];
	_ =	sdelay $0x1  }
0x99: {  	s4 =	simm.s32 $_scs_section_size  }
0x9a: {  	s5 =	simm.s32 $_size__tile_overlayer_lowered;
	s6 =	simm.s32 $_tile_overlayer_lowered  }
0x9b: {  	s22 =	simm.s32 $0x1BFF;
	s21 =	sshll.u32 s6, $0x1;
	s3 =	sadd.s32 s4, s19  }
0x9c: {  	s7 =	simm.s32 $0x0;
	s20 =	sshll.u32 s5, $0x1;
	s5 =	sadd.s32 s21, s3  }
0x9d: {  	[timem:s7], [sflag:s22] =	dma.local [hbm:s5], s20  }
0x9e: {  	_ =	swait.ge [sflag:s22], s20  }
0x9f: {  	s4 =	ssub.s32 $0x0, s20;
	[sflag:s22] =	ssyncset.done $0x0  }
0xa0: {  	[sflag:s22] =	ssyncadd.s32 s4;
	_ =	sdelay $0x1  }
0xa1: {  	s23 =	simm.s32 $0x1B8B  }
0xa2: {  	_ =	swait.ge [sflag:s23], $0x1  }
0xa3: {  	[sflag:s23] =	ssyncset.done $0x0  }
0xa4: {  	s25 =	simm.s32 $0x1B8E;
	s24 =	sld [smem:$0x3FFE];
	[sflag:s23] =	ssyncadd.s32 $0xFFFFFFFF  }
0xa5: {  	s26 =	simm.s32 $execute0_lowered;
	[smem:$0x3FD2] =	sst s25  }
0xa6: {  	s5 =	sshll.u32 s26, $0x1;
	_ =	strace $0x80000046;
	[dreg:$0x1] =	wrdreg $0xFFFFFFFF  }
0xa7: {  	s28 =	simm.s32 $_size_execute0_lowered;
	s3 =	sadd.s32 s3, s5;
	[dreg:$0x0] =	wrdreg $0x0  }
0xa8: {  	s5 =	sshll.u32 s28, $0x1;
	[dreg:$0x2] =	wrdreg s3  }
0xa9: {  	[dreg:$0x3] =	wrdreg s5  }
0xaa: {  	[dreg:$0x4] =	wrdreg $0xC0  }
0xab: {  	_ =	task [dreg:s7], $0x5FFFF  }
0xac: {  	[dreg:$0x1] =	wrdreg $0xFFFFFFFF  }
0xad: {  	[dreg:$0x0] =	wrdreg $0x60  }
0xae: {  	[dreg:$0x2] =	wrdreg s2  }
0xaf: {  	[dreg:$0x3] =	wrdreg s24  }
0xb0: {  	[dreg:$0x4] =	wrdreg $0x9  }
0xb1: {  	_ =	task.clear_ibuf [dreg:s7], $0x5FFFF;
	_ =	strace $0x90000046  }
0xb2: {  	s29 =	simm.s32 $0x9;
	_ =	strace $0x80000048  }
0xb3: {  	_ =	swait.ge [sflag:s29], $0x1  }
0xb4: {  	[sflag:s29] =	ssyncadd.s32 $0xFFFFFFFF  }
0xb5: {  	_ =	strace $0x90000048  }
0xb6: {  	_ =	sfence  }
0xb7: {  	s30 =	sld [smem:$0x0];
	_ =	sdelay $0x2  }
0xb8: {  	s31 =	sshll.u32 s1, $0xD;
	s1 =	sshrl.u32 s1, $0x2  }
0xb9: {  	s3 =	sand.u32 $0x4000, s31;
	s1 =	sadd.s32 s1, s30  }
0xba: {  	s0 =	sor.u32 s3, s0;
	s1 =	sshll.u32 s1, $0x11  }
0xbb: {  	s0 =	sor.u32 s1, s0  }
0xbc: {  	s0 =	sadd.s32 $0x8F2B, s0  }
0xbd: {  	[sflag:s0] =	ssyncadd.remote.s32 $0x1  }
0xbe: {  	_ =	sfence.sel $0xFFFF  }
0xbf: {  	[dreg:$0x0] =	wrdreg $0xFFFFFFFF;
	(pc) =	sbr.abs _section_cstart, $3  }
0xc0: {  	[dreg:$0x1] =	wrdreg $0xFFFFFFFF  }
0xc1: {  	_ =	task.clear_ibuf [dreg:s7], $0x2FFFF;
	_ =	strace $0x9FFFFFFF  }
0xc2: {  	(tm) =	ssettm $0x7FFFFFFF  }
0xc3: {  	_ =	shalt  }
tec
execute0_lowered:
.L_overlay_start_1:
0x0: {  	(tag) =	ssettag $0x1  }
0x1: {  	s1 =	srdreg.scid;
	s3 =	stileid.u32  }
0x2: {  	s2 =	rddreg [dreg:$0x0];
	s1 =	sand.u32 $0x1, s1;
	s4 =	sshll.u32 s3, $0x1  }
0x3: {  	s0 =	rddreg [dreg:$0x1];
	s6 =	simm.s32 $0x0;
	s4 =	sor.u32 s1, s4  }
0x4: {  	[smem:$0x7FF] =	sst s6;
	s28 =	sadd.s32 $0x200, s0;
	s5 =	sshll.u32 s4, $0x4  }
0x5: {  	_ =	strace $0x80000047;
	s1 =	ssub.s32 $0x2, s1;
	s0 =	sadd.s32 s5, s0  }
0x6: {  	[dreg:$0x3] =	wrdreg s28;
	s29 =	sshrl.u32 s1, $0x1;
	s30 =	sadd.s32 $0x400, s0  }
0x7: {  	s1 =	ssub.s32 s1, s29;
	s0 =	sadd.s32 $0x600, s0;
	[dreg:$0x4] =	wrdreg s30  }
0x8: {  	s9 =	simm.s32 $0x1;
	s31 =	smax.u32 s1, $0x1;
	[dreg:$0x5] =	wrdreg s0  }
0x9: {  	s10 =	simm.s32 $0x180;
	vm0 =	vcmask $0x300;
	vm1 =	vcmask $0x704;
	vm2 =	vcmask $0xB08;
	s1 =	simm.s32 $0x0;
	[dreg:$0x6] =	wrdreg s31  }
.LBB2_1:
0xa: {  	[dreg:$0x7] =	wrdreg s1  }
0xb: {  	s0 =	rddreg [dreg:$0x3]  }
0xc: {  	[tilespmem:s6], [sflag:$0x1] =	stream.linear.gather [hbm4b:s0+s6], $0x180, $0x38;
	[tilespmem:$0x12E80] =	vst v63  }
0xd: {  	_ =	swait.ge [sflag:s9], $0x180  }
0xe: {  	[sflag:s9] =	ssyncset.done $0x0  }
0xf: {  	[sflag:s9] =	ssyncadd.s32 $0xFFFFFE80  }
0x10: {  	v0 =	vld [tilespmem:$0x0]  }
0x11: {  	v1 =	vld [tilespmem:$0x10]  }
0x12: {  	v2 =	vld [tilespmem:$0x20]  }
0x13: {  	v3 =	vld [tilespmem:$0x30]  }
0x14: {  	v4 =	vld [tilespmem:$0x40]  }
0x15: {  	v5 =	vld [tilespmem:$0x50]  }
0x16: {  	v6 =	vld [tilespmem:$0x60]  }
0x17: {  	v7 =	vld [tilespmem:$0x70]  }
0x18: {  	v8 =	vld [tilespmem:$0x80]  }
0x19: {  	v9 =	vld [tilespmem:$0x90]  }
0x1a: {  	v10 =	vld [tilespmem:$0xA0]  }
0x1b: {  	v11 =	vld [tilespmem:$0xB0]  }
0x1c: {  	v12 =	vld [tilespmem:$0xC0]  }
0x1d: {  	v13 =	vld [tilespmem:$0xD0]  }
0x1e: {  	v14 =	vld [tilespmem:$0xE0]  }
0x1f: {  	v15 =	vld [tilespmem:$0xF0]  }
0x20: {  	v16 =	vld [tilespmem:$0x100]  }
0x21: {  	v17 =	vld [tilespmem:$0x110]  }
0x22: {  	v18 =	vld [tilespmem:$0x120]  }
0x23: {  	v19 =	vld [tilespmem:$0x130]  }
0x24: {  	v20 =	vld [tilespmem:$0x140]  }
0x25: {  	s15 =	simm.f32 $3.000000010e+38;
	s14 =	simm.s32 $0x0;
	v21 =	vld [tilespmem:$0x150]  }
0x26: {  	s16 =	simm.s32 $0x0;
	s19 =	smov.u32 s4;
	s18 =	simm.f32 $3.000000010e+38;
	v22 =	vld [tilespmem:$0x160]  }
0x27: {  	s20 =	simm.f32 $3.000000010e+38;
	s21 =	simm.s32 $0x0;
	s6 =	simm.s32 $0x0;
	v23 =	vld [tilespmem:$0x170]  }
.LBB2_2:
0x28: {  	s0 =	sshll.u32 s21, $0x5  }
0x29: {  	s22 =	sor.u32 s4, s0  }
0x2a: {  	s0 =	smin.u32 s22, $0x1F3  }
0x2b: {  	s0 =	smul.u32 $0xC8, s0;
	_ =	sdelay $0x1  }
0x2c: {  	s0 =	sshrl.u32 s0, $0x3  }
0x2d: {  	s0 =	smul.u32 $0x180, s0;
	_ =	sdelay $0x1  }
0x2e: {  	s1 =	simm.s32 $0x0;
	s12 =	simm.s32 $0x0;
	s0 =	sadd.s32 s2, s0  }
0x2f: {  	[tilespmem:s10], [sflag:$0x1] =	stream.linear.gather [hbm4b:s0+s1], $0x12C00, $0x38;
	[tilespmem:$0x12E80] =	vst v63  }
0x30: {  	s0 =	smul.u32 $0x3000, s12  }
0x31: {  	_ =	swait.ge [sflag:s9], $0x12C00  }
0x32: {  	s1 =	sand.u32 $0x380, s1;
	[sflag:s9] =	ssyncset.done $0x0;
	s0 =	sshra.s32 s0, $0x2  }
0x33: {  	[sflag:s9] =	ssyncadd.s32 $0xFFFED400;
	s0 =	sor.u32 s1, s0  }
0x34: {  	v24 =	vld [tilespmem:s0+$0x1B0]  }
0x35: {  	v25 =	vld [tilespmem:s0+$0x190]  }
0x36: {  	v26 =	vld [tilespmem:s0+$0x180]  }
0x37: {  	v27 =	vld [tilespmem:s0+$0x1A0]  }
0x38: {  	v28 =	vld [tilespmem:s0+$0x1C0]  }
0x39: {  	v29 =	vld [tilespmem:s0+$0x1D0]  }
0x3a: {  	v30 =	vld [tilespmem:s0+$0x1E0]  }
0x3b: {  	v31 =	vld [tilespmem:s0+$0x1F0]  }
0x3c: {  	v32 =	vld [tilespmem:s0+$0x580]  }
0x3d: {  	v33 =	vld [tilespmem:s0+$0x590];
	v26 =	vsub.f32 v26, v0;
	v25 =	vsub.f32 v25, v1  }
0x3e: {  	v34 =	vld [tilespmem:s0+$0x5A0]  }
0x3f: {  	v35 =	vld [tilespmem:s0+$0x5B0];
	v27 =	vsub.f32 v27, v2;
	v26 =	vmul.f32 v26, v26;
	v25 =	vmul.f32 v25, v25  }
0x40: {  	v36 =	vld [tilespmem:s0+$0x5D0]  }
0x41: {  	v37 =	vld [tilespmem:s0+$0x5F0];
	v24 =	vsub.f32 v24, v3;
	v27 =	vmul.f32 v27, v27;
	v25 =	vadd.f32 v25, v26  }
0x42: {  	v38 =	vld [tilespmem:s0+$0x990]  }
0x43: {  	s13 =	simm.s32 $0x0;
	v39 =	vld [tilespmem:s0+$0x9B0];
	v28 =	vsub.f32 v28, v4;
	v24 =	vmul.f32 v24, v24;
	v25 =	vadd.f32 v27, v25  }
0x44: {  	s1 =	smul.u32 $0x3000, s13;
	v47 =	vld [tilespmem:s0+$0x9C0]  }
0x45: {  	s5 =	simm.s32 $0x80;
	v40 =	vld [tilespmem:s0+$0x9D0];
	v29 =	vsub.f32 v29, v5;
	v24 =	vadd.f32 v24, v25;
	v25 =	vmul.f32 v28, v28  }
0x46: {  	s5 =	sand.u32 $0x380, s5;
	v48 =	vld [tilespmem:s0+$0x9E0];
	s1 =	sshra.s32 s1, $0x2  }
0x47: {  	v41 =	vld [tilespmem:s0+$0x9F0];
	s17 =	sor.u32 s5, s1;
	v30 =	vsub.f32 v30, v6;
	v24 =	vadd.f32 v25, v24;
	v25 =	vmul.f32 v29, v29  }
0x48: {  	v42 =	vld [tilespmem:s17+$0x190];
	v31 =	vsub.f32 v31, v7  }
0x49: {  	v44 =	vld [tilespmem:s17+$0x1D0];
	v46 =	vsub.f32 v33, v9;
	v24 =	vadd.f32 v25, v24;
	v25 =	vmul.f32 v30, v30  }
0x4a: {  	v51 =	vld [tilespmem:s17+$0x1E0];
	v34 =	vsub.f32 v34, v10;
	v36 =	vsub.f32 v36, v13  }
0x4b: {  	v45 =	vld [tilespmem:s17+$0x1F0];
	v30 =	vsub.f32 v32, v8;
	v24 =	vadd.f32 v25, v24;
	v25 =	vmul.f32 v31, v31  }
0x4c: {  	v49 =	vld [tilespmem:s17+$0x180];
	v38 =	vsub.f32 v38, v17;
	v39 =	vsub.f32 v39, v19  }
0x4d: {  	v52 =	vld [tilespmem:s17+$0x580];
	v33 =	vsub.f32 v47, v20;
	v24 =	vadd.f32 v25, v24;
	v25 =	vmul.f32 v30, v30  }
0x4e: {  	v37 =	vsub.f32 v37, v15;
	v42 =	vsub.f32 v42, v1;
	v26 =	vld [tilespmem:s0+$0x5C0]  }
0x4f: {  	v44 =	vsub.f32 v44, v5;
	v27 =	vld [tilespmem:s0+$0x5E0];
	v24 =	vadd.f32 v25, v24;
	v25 =	vmul.f32 v46, v46  }
0x50: {  	v54 =	vsub.f32 v51, v6;
	v55 =	vsub.f32 v45, v7;
	v28 =	vld [tilespmem:s0+$0x980]  }
0x51: {  	v29 =	vld [tilespmem:s0+$0x9A0];
	v31 =	vsub.f32 v35, v11;
	v24 =	vadd.f32 v25, v24;
	v25 =	vmul.f32 v34, v34  }
0x52: {  	v42 =	vmul.f32 v42, v42;
	v32 =	vsub.f32 v49, v0;
	v35 =	vsub.f32 v48, v22;
	v48 =	vld [tilespmem:s17+$0x5D0]  }
0x53: {  	v43 =	vld [tilespmem:s17+$0x1A0];
	v26 =	vsub.f32 v26, v12;
	v24 =	vadd.f32 v25, v24;
	v25 =	vmul.f32 v31, v31  }
0x54: {  	v58 =	vld [tilespmem:s17+$0x990];
	v27 =	vsub.f32 v27, v14;
	v49 =	vsub.f32 v52, v8;
	v32 =	vmul.f32 v32, v32  }
0x55: {  	v28 =	vsub.f32 v28, v16;
	v30 =	vld [tilespmem:s17+$0x1B0];
	v24 =	vadd.f32 v25, v24;
	v25 =	vmul.f32 v26, v26  }
0x56: {  	v59 =	vld [tilespmem:s17+$0x9A0];
	v36 =	vmul.f32 v36, v36;
	v29 =	vsub.f32 v29, v18;
	v32 =	vadd.f32 v42, v32  }
0x57: {  	v50 =	vld [tilespmem:s17+$0x1C0];
	v38 =	vmul.f32 v38, v38;
	v60 =	vsub.f32 v48, v13;
	v24 =	vadd.f32 v25, v24  }
0x58: {  	v57 =	vld [tilespmem:s17+$0x980];
	v39 =	vmul.f32 v39, v39;
	v34 =	vsub.f32 v40, v21;
	v26 =	vsub.f32 v43, v2  }
0x59: {  	v27 =	vmul.f32 v27, v27;
	v46 =	vld [tilespmem:s17+$0x590];
	v40 =	vsub.f32 v58, v17;
	v24 =	vadd.f32 v36, v24  }
0x5a: {  	v47 =	vld [tilespmem:s17+$0x5B0];
	v30 =	vsub.f32 v30, v3;
	v31 =	vsub.f32 v41, v23;
	v25 =	vmul.f32 v26, v26  }
0x5b: {  	v51 =	vld [tilespmem:s17+$0x9D0];
	v41 =	vsub.f32 v59, v18;
	v24 =	vadd.f32 v27, v24;
	v27 =	vmul.f32 v37, v37  }
0x5c: {  	s23 =	simm.s32 $0x0;
	v53 =	vld [tilespmem:s17+$0x5A0];
	v30 =	vmul.f32 v30, v30;
	v26 =	vsub.f32 v50, v4;
	v25 =	vadd.f32 v25, v32  }
0x5d: {  	s1 =	smul.u32 $0x3000, s23;
	v62 =	vld [tilespmem:s17+$0x9C0];
	v28 =	vmul.f32 v28, v28;
	v43 =	vsub.f32 v57, v16;
	v24 =	vadd.f32 v27, v24  }
0x5e: {  	s24 =	simm.s32 $0x100;
	v63 =	vld [tilespmem:s17+$0x5C0];
	v50 =	vsub.f32 v46, v9;
	v26 =	vmul.f32 v26, v26;
	v25 =	vadd.f32 v30, v25  }
0x5f: {  	s5 =	sand.u32 $0x380, s24;
	v56 =	vld [tilespmem:s17+$0x5E0];
	s1 =	sshra.s32 s1, $0x2;
	v33 =	vmul.f32 v33, v33;
	v30 =	vsub.f32 v47, v11;
	v24 =	vadd.f32 v28, v24  }
0x60: {  	s1 =	sor.u32 s5, s1;
	v52 =	vld [tilespmem:s17+$0x9E0];
	v37 =	vsub.f32 v51, v21;
	v25 =	vadd.f32 v26, v25;
	v26 =	vmul.f32 v44, v44  }
0x61: {  	v29 =	vmul.f32 v29, v29;
	v48 =	vld [tilespmem:s1+$0x580];
	v27 =	vsub.f32 v53, v10;
	v24 =	vadd.f32 v38, v24  }
0x62: {  	v53 =	vld [tilespmem:s1+$0x1B0];
	v44 =	vsub.f32 v62, v20;
	v25 =	vadd.f32 v26, v25;
	v26 =	vmul.f32 v54, v54  }
0x63: {  	v35 =	vmul.f32 v35, v35;
	v28 =	vsub.f32 v63, v12;
	v54 =	vld [tilespmem:s1+$0x1A0];
	v24 =	vadd.f32 v29, v24  }
0x64: {  	v61 =	vld [tilespmem:s17+$0x9B0];
	v63 =	vsub.f32 v56, v14;
	v25 =	vadd.f32 v26, v25;
	v26 =	vmul.f32 v55, v55  }
0x65: {  	s25 =	simm.s32 $0x0;
	v34 =	vmul.f32 v34, v34;
	v55 =	vld [tilespmem:s1+$0x190];
	v38 =	vsub.f32 v52, v22;
	v24 =	vadd.f32 v39, v24  }
0x66: {  	s26 =	smul.u32 $0x3000, s25;
	v56 =	vld [tilespmem:s1+$0x180];
	v52 =	vsub.f32 v48, v8;
	v25 =	vadd.f32 v26, v25;
	v26 =	vmul.f32 v49, v49  }
0x67: {  	s0 =	simm.s32 $0x180;
	v31 =	vmul.f32 v31, v31;
	v58 =	vsub.f32 v53, v3;
	v29 =	vld [tilespmem:s17+$0x9F0];
	v24 =	vadd.f32 v33, v24  }
0x68: {  	s5 =	sshra.s32 s26, $0x2;
	s7 =	sand.u32 $0x380, s0;
	v59 =	vld [tilespmem:s1+$0x1F0];
	v32 =	vsub.f32 v54, v2;
	v25 =	vadd.f32 v26, v25;
	v26 =	vmul.f32 v50, v50  }
0x69: {  	s25 =	sor.u32 s7, s5;
	v30 =	vmul.f32 v30, v30;
	v39 =	vsub.f32 v61, v19;
	v61 =	vld [tilespmem:s1+$0x5A0];
	v24 =	vadd.f32 v34, v24  }
0x6a: {  	v51 =	vld [tilespmem:s25+$0x190];
	v45 =	vsub.f32 v55, v1;
	v25 =	vadd.f32 v26, v25;
	v26 =	vmul.f32 v27, v27  }
0x6b: {  	v28 =	vmul.f32 v28, v28;
	v27 =	vld [tilespmem:s1+$0x1C0];
	v33 =	vsub.f32 v56, v0;
	v24 =	vadd.f32 v35, v24  }
0x6c: {  	v36 =	vmul.f32 v63, v63;
	v47 =	vsub.f32 v29, v23;
	v29 =	vld [tilespmem:s1+$0x1D0];
	v25 =	vadd.f32 v26, v25  }
0x6d: {  	v57 =	vld [tilespmem:s17+$0x5F0];
	v45 =	vmul.f32 v45, v45;
	v33 =	vmul.f32 v33, v33;
	v24 =	vadd.f32 v31, v24  }
0x6e: {  	v63 =	vld [tilespmem:s1+$0x5D0];
	v55 =	vsub.f32 v61, v10;
	v61 =	vmul.f32 v44, v44;
	v25 =	vadd.f32 v30, v25  }
0x6f: {  	v56 =	vld [tilespmem:s1+$0x980];
	v44 =	vsub.f32 v51, v1;
	v33 =	vadd.f32 v45, v33;
	(xrf2) =	vadd.scan.msk.f32 $0xffff, v24;
	v24 =	vmul.f32 v32, v32  }
0x70: {  	v26 =	vld [tilespmem:s1+$0x1E0];
	v27 =	vsub.f32 v27, v4;
	v31 =	vmul.f32 v60, v60;
	v25 =	vadd.f32 v28, v25  }
0x71: {  	v34 =	vmul.f32 v58, v58;
	v28 =	vsub.f32 v29, v5;
	v29 =	vld [tilespmem:s1+$0x5B0];
	v24 =	vadd.f32 v24, v33  }
0x72: {  	v62 =	vld [tilespmem:s1+$0x5C0];
	v30 =	vsub.f32 v57, v15;
	v25 =	vadd.f32 v31, v25  }
0x73: {  	v35 =	vsub.f32 v63, v13;
	v60 =	vld [tilespmem:s1+$0x590];
	v27 =	vmul.f32 v27, v27;
	v24 =	vadd.f32 v34, v24  }
0x74: {  	v53 =	vld [tilespmem:s1+$0x5E0];
	v46 =	vsub.f32 v56, v16;
	v30 =	vmul.f32 v30, v30;
	v25 =	vadd.f32 v36, v25  }
0x75: {  	v49 =	vld [tilespmem:s1+$0x9E0];
	v26 =	vsub.f32 v26, v6;
	v24 =	vadd.f32 v27, v24;
	v27 =	vmul.f32 v28, v28  }
0x76: {  	v43 =	vmul.f32 v43, v43;
	v25 =	vadd.f32 v30, v25;
	v30 =	vsub.f32 v29, v11;
	v29 =	vld [tilespmem:s1+$0x990]  }
0x77: {  	v41 =	vmul.f32 v41, v41;
	v58 =	vld [tilespmem:s1+$0x9A0];
	v31 =	vsub.f32 v59, v7;
	v32 =	vsub.f32 v62, v12  }
0x78: {  	v57 =	vmul.f32 v40, v40;
	v63 =	vld [tilespmem:s25+$0x1A0];
	v54 =	vsub.f32 v60, v9;
	v25 =	vadd.f32 v43, v25  }
0x79: {  	v62 =	vld [tilespmem:s25+$0x1B0];
	v26 =	vmul.f32 v26, v26;
	v43 =	vsub.f32 v53, v14;
	v24 =	vadd.f32 v27, v24;
	v27, _, _ =	vpop (xrf2)  }
0x7a: {  	v33 =	vmul.f32 v54, v54;
	v54 =	vld [tilespmem:s25+$0x1C0];
	v25 =	vadd.f32 v57, v25;
	(v2sf) =	vpush v27, $0xF  }
0x7b: {  	v28 =	vld [tilespmem:s1+$0x9B0];
	v50 =	vsub.f32 v29, v17;
	v24 =	vadd.f32 v26, v24;
	v26 =	vmul.f32 v31, v31  }
0x7c: {  	v39 =	vmul.f32 v39, v39;
	v59 =	vld [tilespmem:s1+$0x9C0];
	v29 =	vsub.f32 v58, v18;
	v25 =	vadd.f32 v41, v25  }
0x7d: {  	v60 =	vld [tilespmem:s1+$0x9D0];
	v58 =	vsub.f32 v63, v2;
	v24 =	vadd.f32 v26, v24;
	v26 =	vmul.f32 v52, v52  }
0x7e: {  	v42 =	vmul.f32 v55, v55;
	v55 =	vld [tilespmem:s25+$0x1D0];
	v41 =	vsub.f32 v62, v3;
	v25 =	vadd.f32 v39, v25  }
0x7f: {  	v53 =	vmul.f32 v38, v38;
	v31 =	vld [tilespmem:s1+$0x9F0];
	v38 =	vsub.f32 v54, v4;
	v45 =	vadd.f32 v26, v24  }
0x80: {  	v37 =	vmul.f32 v37, v37;
	v28 =	vsub.f32 v28, v19;
	v52 =	vld [tilespmem:s25+$0x180];
	v25 =	vadd.f32 v61, v25  }
0x81: {  	v36 =	vld [tilespmem:s1+$0x5F0];
	v27 =	vsub.f32 v59, v20;
	v33 =	vadd.f32 v33, v45  }
0x82: {  	v44 =	vmul.f32 v44, v44;
	v62 =	vld [tilespmem:s25+$0x580];
	v26 =	vsub.f32 v60, v21;
	v37 =	vadd.f32 v37, v25  }
0x83: {  	v30 =	vmul.f32 v30, v30;
	v59 =	vld [tilespmem:s25+$0x1F0];
	v24 =	vsub.f32 v49, v22;
	v33 =	vadd.f32 v42, v33  }
0x84: {  	v63 =	vld [tilespmem:s25+$0x590];
	v61 =	vmul.f32 v47, v47;
	v25 =	vsub.f32 v31, v23;
	v34 =	vadd.f32 v53, v37  }
0x85: {  	v32 =	vmul.f32 v32, v32;
	v31 =	vld [tilespmem:s25+$0x1E0];
	v40 =	vsub.f32 v52, v0;
	v30 =	vadd.f32 v30, v33  }
0x86: {  	p0 =	slt.s32 s19, $0x1F3;
	s29 =	smov.u32 s20;
	s31 =	smov.u32 s6;
	v51 =	vld [tilespmem:s25+$0x5B0];
	v35 =	vmul.f32 v35, v35;
	v60 =	vsub.f32 v36, v15;
	v49 =	vadd.f32 v61, v34  }
0x87: {  	s11 =	simm.s32 $0x1;
	s28 =	smov.u32 s18;
	s30 =	smov.u32 s16;
	v45 =	vsub.f32 v55, v5;
	v52 =	vld [tilespmem:s25+$0x5D0];
	v56 =	vmul.f32 v40, v40;
	v30 =	vadd.f32 v32, v30  }
0x88: {  	s12 =	simm.s32 $0x2;
	s24 =	smov.u32 s15;
	v57 =	vld [tilespmem:s25+$0x5A0];
	v43 =	vmul.f32 v43, v43;
	s1 =	smov.u32 s19;
	v33 =	vsub.f32 v59, v7;
	v34 =	vsub.f32 v62, v8;
	(xrf2) =	vadd.scan.msk.f32 $0xffff, v49  }
0x89: {  	s26 =	smov.u32 s14;
	s1 =	simm.s32 @!p0 $0x1F3;
	v58 =	vmul.f32 v58, v58;
	v59 =	vld [tilespmem:s25+$0x5C0];
	v44 =	vadd.f32 v44, v56;
	v35 =	vadd.f32 v35, v30;
	s5 =	spop (v2sf)  }
0x8a: {  	s7 =	simm.s32 $0x4;
	s23 =	smul.u32 $0xC8, s1;
	v39 =	vld [tilespmem:s25+$0x5E0];
	v53 =	vmul.f32 v41, v41;
	v36 =	vsub.f32 v31, v6;
	v31 =	vsub.f32 v63, v9;
	p0 =	slt.f32 s5, s20  }
0x8b: {  	s17 =	smov.u32 s6;
	s1 =	simm.s32 $0x3;
	v42 =	vmul.f32 v60, v60;
	v41 =	vld [tilespmem:s25+$0x980];
	v44 =	vadd.f32 v58, v44;
	v43 =	vadd.f32 v43, v35;
	p2 =	slt.f32 s5, s15  }
0x8c: {  	s8 =	sadd.s32 $0x0, s23;
	v40 =	vld [tilespmem:s25+$0x990];
	v62 =	vmul.f32 v38, v38;
	v32 =	vsub.f32 v51, v11;
	v38 =	vsub.f32 v52, v13;
	p1 =	slt.f32 s5, s18;
	s29 =	smov.u32 @p0 s5  }
0x8d: {  	v60 =	vmul.f32 v46, v46;
	v30 =	vld [tilespmem:s25+$0x5F0];
	v61 =	vadd.f32 v53, v44;
	v63 =	vadd.f32 v42, v43;
	s31 =	smov.u32 @p0 s8;
	s24 =	smov.u32 @p2 s5;
	s26 =	smov.u32 @p2 s8  }
0x8e: {  	v47 =	vmul.f32 v45, v45;
	v37 =	vsub.f32 v59, v12;
	v35 =	vsub.f32 v57, v10;
	v42 =	vld [tilespmem:s25+$0x9A0];
	s28 =	smov.u32 @p1 s5;
	s30 =	smov.u32 @p1 s8;
	s24 =	smov.u32 @p1 s18  }
0x8f: {  	v44 =	vmul.f32 v50, v50;
	v46 =	vadd.f32 v62, v61;
	v43 =	vld [tilespmem:s25+$0x9B0];
	s28 =	smov.u32 @p0 s20;
	s26 =	smov.u32 @p1 s16;
	v45 =	vadd.f32 v60, v63;
	s5 =	smov.u32 s29  }
.LBB2_3:
0x90: {  	s3 =	sshrl.u32 s7, $0x3  }
0x91: {  	p1 =	sne.s32 s7, $0xC7;
	v39 =	vsub.f32 v39, v14;
	v48 =	vld [tilespmem:s25+$0x9C0];
	v29 =	vmul.f32 v29, v29;
	s8 =	smov.u32 s7;
	s7 =	sadd.s32 $0x1, s7  }
0x92: {  	v36 =	vmul.f32 v36, v36;
	s3 =	smul.u32 $0x3000, s3;
	v46 =	vadd.f32 v47, v46;
	v47 =	vld [tilespmem:s25+$0x9D0];
	v44 =	vadd.f32 v44, v45;
	v45, _, _ =	vpop (xrf2)  }
0x93: {  	s0 =	sadd.s32 $0x80, s0;
	v28 =	vmul.f32 v28, v28;
	v49 =	vsub.f32 v41, v16;
	v41 =	vld [tilespmem:s25+$0x9E0];
	(v2sf) =	vpush v45, $0xF  }
0x94: {  	v33 =	vmul.f32 v33, v33;
	s13 =	sand.u32 $0x380, s0;
	s3 =	sshra.s32 s3, $0x2;
	v36 =	vadd.f32 v36, v46;
	v45 =	vld [tilespmem:s25+$0x9F0];
	v44 =	vadd.f32 v29, v44  }
0x95: {  	s30 =	smov.u32 @p0 s17;
	s17 =	smov.u32 s31;
	v46 =	vsub.f32 v40, v17;
	v29 =	vsub.f32 v42, v18;
	v40 =	vmul.f32 v27, v27;
	s25 =	sor.u32 s13, s3  }
0x96: {  	v34 =	vmul.f32 v34, v34;
	v42 =	vld [tilespmem:s25+$0x1B0];
	v33 =	vadd.f32 v33, v36;
	v36 =	vadd.f32 v28, v44  }
0x97: {  	v28 =	vsub.f32 v43, v19;
	v27 =	vsub.f32 v48, v20;
	v43 =	vmul.f32 v26, v26;
	v44 =	vld [tilespmem:s25+$0x1A0]  }
0x98: {  	v31 =	vmul.f32 v31, v31;
	v48 =	vld [tilespmem:s25+$0x190];
	v33 =	vadd.f32 v34, v33;
	v34 =	vadd.f32 v40, v36  }
0x99: {  	v26 =	vsub.f32 v47, v21;
	v40 =	vmul.f32 v24, v24;
	v24 =	vsub.f32 v41, v22;
	v36 =	vld [tilespmem:s25+$0x180]  }
0x9a: {  	v41 =	vld [tilespmem:s25+$0x1C0];
	v31 =	vadd.f32 v31, v33;
	v33 =	vmul.f32 v35, v35;
	v34 =	vadd.f32 v43, v34  }
0x9b: {  	v43 =	vsub.f32 v45, v23;
	v35 =	vsub.f32 v42, v3;
	v42 =	vld [tilespmem:s25+$0x1D0]  }
0x9c: {  	v45 =	vld [tilespmem:s25+$0x1E0];
	v31 =	vadd.f32 v33, v31;
	v33 =	vadd.f32 v40, v34;
	v34 =	vmul.f32 v25, v25  }
0x9d: {  	v32 =	vmul.f32 v32, v32;
	v47 =	vsub.f32 v30, v15;
	v40 =	vsub.f32 v44, v2;
	v25 =	vmovc v43;
	v44 =	vld [tilespmem:s25+$0x1F0]  }
0x9e: {  	v38 =	vmul.f32 v38, v38;
	v30 =	vsub.f32 v36, v0;
	v36 =	vsub.f32 v48, v1;
	v43 =	vld [tilespmem:s25+$0x580]  }
0x9f: {  	v31 =	vadd.f32 v32, v31;
	v32 =	vmul.f32 v37, v37;
	v33 =	vadd.f32 v34, v33;
	v48 =	vld [tilespmem:s25+$0x590]  }
0xa0: {  	v37 =	vmul.f32 v40, v40;
	v40 =	vsub.f32 v41, v4;
	v30 =	vmul.f32 v30, v30;
	v41 =	vld [tilespmem:s25+$0x5A0]  }
0xa1: {  	v34 =	vmul.f32 v36, v36;
	v50 =	vsub.f32 v42, v5;
	v31 =	vadd.f32 v32, v31;
	v42 =	vld [tilespmem:s25+$0x5B0];
	(xrf2) =	vadd.scan.msk.f32 $0xffff, v33  }
0xa2: {  	v32 =	vmul.f32 v39, v39;
	v36 =	vsub.f32 v45, v6;
	v33 =	vsub.f32 v44, v7;
	v44 =	vld [tilespmem:s25+$0x5C0];
	s3 =	spop (v2sf)  }
0xa3: {  	v45 =	vmul.f32 v35, v35;
	v30 =	vadd.f32 v34, v30;
	v35 =	vadd.f32 v38, v31;
	v51 =	vld [tilespmem:s25+$0x5D0];
	p0 =	slt.f32 s3, s29;
	p2 =	slt.f32 s3, s28  }
0xa4: {  	s13 =	sadd.s32 s11, s23;
	s11 =	smov.u32 s12;
	v34 =	vsub.f32 v43, v8;
	p3 =	slt.f32 s3, s24;
	v31 =	vsub.f32 v48, v9;
	v39 =	vld [tilespmem:s25+$0x5E0]  }
.Ltmp0:
0xa5: {  	v43 =	vmul.f32 v47, v47;
	v37 =	vadd.f32 v37, v30;
	v38 =	vadd.f32 v32, v35;
	v30 =	vld [tilespmem:s25+$0x5F0];
	s29 =	smov.u32 @p0 s3;
	s31 =	smov.u32 @p0 s13;
	(pc) =	sbr.rel @p1 .LBB2_3-.Ltmp0, $4  }
0xa6: {  	s12 =	smov.u32 s1;
	v48 =	vmul.f32 v49, v49;
	v35 =	vsub.f32 v41, v10;
	s24 =	smov.u32 @p3 s3;
	s26 =	smov.u32 @p3 s13;
	v32 =	vsub.f32 v42, v11;
	v41 =	vld [tilespmem:s25+$0x980]  }
0xa7: {  	s1 =	smov.u32 s8;
	v47 =	vmul.f32 v40, v40;
	v45 =	vadd.f32 v45, v37;
	v49 =	vadd.f32 v43, v38;
	s24 =	smov.u32 @p2 s28;
	s28 =	smov.u32 @p2 s3;
	v40 =	vld [tilespmem:s25+$0x990]  }
0xa8: {  	s26 =	smov.u32 @p2 s30;
	v37 =	vsub.f32 v44, v12;
	v44 =	vmul.f32 v46, v46;
	s28 =	smov.u32 @p0 s5;
	s5 =	smov.u32 s29;
	v38 =	vsub.f32 v51, v13;
	v42 =	vld [tilespmem:s25+$0x9A0]  }
0xa9: {  	s30 =	smov.u32 @p2 s13;
	v46 =	vadd.f32 v47, v45;
	v47 =	vmul.f32 v50, v50;
	v45 =	vadd.f32 v48, v49;
	v43 =	vld [tilespmem:s25+$0x9B0]  }
0xaa: {  	_ = 	snop  }
0xab: {  	v36 =	vmul.f32 v36, v36;
	v46 =	vadd.f32 v47, v46;
	_ =	sdelay $0x1  }
0xac: {  	v33 =	vmul.f32 v33, v33;
	v36 =	vadd.f32 v36, v46;
	_ =	sdelay $0x1  }
0xad: {  	v34 =	vmul.f32 v34, v34;
	v33 =	vadd.f32 v33, v36;
	_ =	sdelay $0x1  }
0xae: {  	v31 =	vmul.f32 v31, v31;
	v33 =	vadd.f32 v34, v33;
	_ =	sdelay $0x1  }
0xaf: {  	v36 =	vmul.f32 v35, v35;
	v31 =	vadd.f32 v31, v33;
	_ =	sdelay $0x1  }
0xb0: {  	v32 =	vmul.f32 v32, v32;
	v31 =	vadd.f32 v36, v31;
	_ =	sdelay $0x1  }
0xb1: {  	v37 =	vmul.f32 v37, v37;
	v31 =	vadd.f32 v32, v31;
	_ =	sdelay $0x1  }
0xb2: {  	v48 =	vmul.f32 v38, v38;
	v47 =	vsub.f32 v39, v14;
	v31 =	vadd.f32 v37, v31  }
0xb3: {  	v29 =	vmul.f32 v29, v29;
	v30 =	vsub.f32 v30, v15  }
0xb4: {  	v46 =	vadd.f32 v44, v45;
	v49 =	vmul.f32 v47, v47;
	v31 =	vadd.f32 v48, v31  }
0xb5: {  	v28 =	vmul.f32 v28, v28;
	v50 =	vsub.f32 v41, v16  }
0xb6: {  	v30 =	vmul.f32 v30, v30;
	v29 =	vadd.f32 v29, v46;
	v31 =	vadd.f32 v49, v31  }
0xb7: {  	v27 =	vmul.f32 v27, v27;
	v51 =	vsub.f32 v40, v17  }
0xb8: {  	v52 =	vld [tilespmem:s25+$0x9C0];
	v28 =	vadd.f32 v28, v29;
	v29 =	vmul.f32 v50, v50;
	v30 =	vadd.f32 v30, v31  }
0xb9: {  	v26 =	vmul.f32 v26, v26;
	v53 =	vsub.f32 v42, v18  }
0xba: {  	v54 =	vld [tilespmem:s25+$0x9D0];
	v27 =	vadd.f32 v27, v28;
	v28 =	vmul.f32 v51, v51;
	v29 =	vadd.f32 v29, v30  }
0xbb: {  	v24 =	vmul.f32 v24, v24;
	v55 =	vsub.f32 v43, v19  }
0xbc: {  	v26 =	vadd.f32 v26, v27;
	v27 =	vmul.f32 v53, v53;
	v28 =	vadd.f32 v28, v29  }
0xbd: {  	v25 =	vmul.f32 v25, v25;
	v56 =	vld [tilespmem:s25+$0x9E0];
	v57 =	vsub.f32 v52, v20  }
0xbe: {  	v24 =	vadd.f32 v24, v26;
	v26 =	vmul.f32 v55, v55;
	v27 =	vadd.f32 v27, v28  }
0xbf: {  	v58 =	vld [tilespmem:s25+$0x9F0];
	v59 =	vsub.f32 v54, v21  }
0xc0: {  	v24 =	vadd.f32 v25, v24;
	v25 =	vmul.f32 v57, v57;
	v26 =	vadd.f32 v26, v27;
	_ =	sdelay $0x1  }
0xc1: {  	v60 =	vsub.f32 v56, v22;
	(xrf2) =	vadd.scan.msk.f32 $0xffff, v24;
	v24 =	vmul.f32 v59, v59;
	v25 =	vadd.f32 v25, v26;
	_ =	sdelay $0x1  }
0xc2: {  	v61 =	vsub.f32 v58, v23;
	v27 =	vmul.f32 v60, v60;
	v24 =	vadd.f32 v24, v25;
	_ =	sdelay $0x1  }
0xc3: {  	v26 =	vmul.f32 v61, v61;
	v24 =	vadd.f32 v27, v24;
	_ =	sdelay $0x1  }
0xc4: {  	v24 =	vadd.f32 v26, v24  }
0xc5: {  	v62, _, _ =	vpop (xrf2)  }
0xc6: {  	(v2sf) =	vpush v62, $0xF;
	(xrf2) =	vadd.scan.msk.f32 $0xffff, v24;
	_ =	sdelay $0x4  }
0xc7: {  	v63, _, _ =	vpop (xrf2)  }
0xc8: {  	(v2sf) =	vpush v63, $0xF;
	_ =	sdelay $0x3  }
0xc9: {  	v24, _, _ =	vpop (xrf2)  }
0xca: {  	(v2sf) =	vpush v24, $0xF;
	_ =	sdelay $0x3  }
0xcb: {  	s0 =	spop (v2sf)  }
0xcc: {  	s30 =	smov.u32 @p0 s17;
	p0 =	slt.f32 s0, s24  }
0xcd: {  	p1 =	slt.f32 s0, s29;
	p2 =	slt.f32 s0, s28  }
0xce: {  	s7 =	sadd.s32 s11, s23;
	s21 =	sadd.s32 $0x1, s21;
	s24 =	smov.u32 @p0 s0  }
0xcf: {  	s29 =	smov.u32 @p1 s0;
	s26 =	smov.u32 @p0 s7;
	s24 =	smov.u32 @p2 s28  }
0xd0: {  	s28 =	smov.u32 @p2 s0;
	s0 =	smov.u32 s31;
	s26 =	smov.u32 @p2 s30  }
0xd1: {  	s30 =	smov.u32 @p2 s7;
	s0 =	smov.u32 @p1 s7;
	s3 =	spop (v2sf)  }
0xd2: {  	s28 =	smov.u32 @p1 s5;
	s30 =	smov.u32 @p1 s31;
	p2 =	slt.f32 s3, s24  }
0xd3: {  	s5 =	smov.u32 s29;
	p0 =	slt.f32 s3, s29;
	p1 =	slt.f32 s3, s28  }
0xd4: {  	s7 =	sadd.s32 s12, s23;
	s8 =	smov.u32 s0;
	s24 =	smov.u32 @p2 s3  }
0xd5: {  	s5 =	smov.u32 @p0 s3;
	s26 =	smov.u32 @p2 s7;
	s24 =	smov.u32 @p1 s28  }
0xd6: {  	s28 =	smov.u32 @p1 s3;
	s26 =	smov.u32 @p1 s30;
	s3 =	spop (v2sf)  }
0xd7: {  	s30 =	smov.u32 @p1 s7;
	s28 =	smov.u32 @p0 s29;
	p2 =	slt.f32 s3, s24  }
0xd8: {  	s30 =	smov.u32 @p0 s0;
	s0 =	sadd.s32 s1, s23;
	p1 =	slt.f32 s3, s28  }
0xd9: {  	s8 =	smov.u32 @p0 s7;
	s24 =	smov.u32 @p2 s3;
	s26 =	smov.u32 @p2 s0  }
0xda: {  	p0 =	slt.f32 s3, s5;
	s24 =	smov.u32 @p1 s28;
	s26 =	smov.u32 @p1 s30  }
0xdb: {  	s28 =	smov.u32 @p1 s3;
	s30 =	smov.u32 @p1 s0;
	p1 =	sne.s32 s21, $0x10  }
.Ltmp1:
0xdc: {  	s7 =	smov.u32 s8;
	s1 =	smov.u32 s5;
	(pc) =	sbr.rel @p1 .LBB2_2-.Ltmp1, $4  }
0xdd: {  	s19 =	sadd.s32 $0x20, s19;
	s1 =	smov.u32 @p0 s3;
	s7 =	smov.u32 @p0 s0  }
0xde: {  	s28 =	smov.u32 @p0 s5;
	s30 =	smov.u32 @p0 s8;
	p0 =	slt.u32 s22, $0x1F4  }
0xdf: {  	s20 =	smov.u32 @p0 s1;
	s18 =	smov.u32 @p0 s28;
	s15 =	smov.u32 @p0 s24  }
0xe0: {  	s6 =	smov.u32 @p0 s7;
	s16 =	smov.u32 @p0 s30;
	s14 =	smov.u32 @p0 s26  }
0xe1: {  	v0 =	vmov s20  }
0xe2: {  	v1 =	vmov s6;
	v0 =	vnsel vm0, $0x7F61B1E6, v0  }
0xe3: {  	v1 =	vnsel vm0, $0x0, v1;
	v0 =	vsel vm1, s18, v0  }
0xe4: {  	v1 =	vsel vm1, s16, v1;
	v0 =	vsel vm2, s15, v0  }
0xe5: {  	v63 =	vsel vm2, s14, v1;
	[tilespmem:$0x12D80] =	vst v0  }
0xe6: {  	s6 =	simm.s32 $0x0;
	s0 =	rddreg [dreg:$0x4];
	s1 =	simm.s32 $0x12D80;
	[tilespmem:$0x12E00] =	vst v63  }
0xe7: {  	[hbm4b:s0+s6] =	stream.linear.scatter [tilespmem:s1], [sflag:$0x1], $0x80, $0x38;
	[tilespmem:$0x12E80] =	vst v63  }
0xe8: {  	_ =	swait.ge [sflag:s9], $0x80  }
0xe9: {  	[sflag:s9] =	ssyncset.done $0x0  }
0xea: {  	s29 =	simm.s32 $0x12E00;
	s28 =	rddreg [dreg:$0x5];
	[sflag:s9] =	ssyncadd.s32 $0xFFFFFF80  }
0xeb: {  	[hbm4b:s28+s6] =	stream.linear.scatter [tilespmem:s29], [sflag:$0x1], $0x80, $0x38;
	[tilespmem:$0x12E80] =	vst v63  }
0xec: {  	_ =	swait.ge [sflag:s9], $0x80  }
0xed: {  	s30 =	rddreg [dreg:$0x7]  }
0xee: {  	s31 =	rddreg [dreg:$0x6];
	s1 =	sadd.s32 $0x1, s30  }
0xef: {  	p0 =	sne.s32 s1, s31  }
.Ltmp2:
0xf0: {  	_ = 	snop;
	(pc) =	sbr.rel @p0 .LBB2_1-.Ltmp2, $3  }
0xf1: {  	_ =	sdelay $0x1  }
0xf2: {  	[sflag:s9] =	ssyncset.done $0x0  }
0xf3: {  	[sflag:s9] =	ssyncadd.s32 $0xFFFFFF80  }
0xf4: {  	_ =	sfence.sel $0x180000  }
0xf5: {  	[bflag:$0x0] =	sbarrier.arrive $0xFFFF  }
0xf6: {  	_ =	strace $0x90000047  }
0xf7: {  	s0 =	stileid.u32;
	[bflag:$0x2] =	sbarrier.arrive $0xFFFF  }
0xf8: {  	p0 =	sne.s32 s0, $0x0;
	s0 =	rddreg [dreg:$0x2]  }
0xf9: {  	s0 =	sadd.s32 @!p0 $0x100000, s0  }
0xfa: {  	[sflag:s0] =	ssyncadd.tile.s32 @!p0 $0x1;
	_ =	shalt  }
.Lfunc_end2:
_tile_overlayer_lowered:
.L_overlay_start_2:
0xfb: {  	(tag) =	ssettag $0x2  }
0xfc: {  	s0 =	rddreg [dreg:$0x0];
	s2 =	stileid.u32  }
0xfd: {  	s1 =	rddreg [dreg:$0x1];
	p0 =	sne.s32 s2, $0x0  }
0xfe: {  	s3 =	rddreg [dreg:$0x2];
	[bflag:$0x3] =	sbarrier.arrive $0xFFFF;
	s2 =	simm.s32 @!p0 $0x1C01  }
0xff: {  	[timem:s3], [sflag:s2] =	dma.local @!p0 [hbm:s0], s1  }
0x100: {  	s0 =	simm.s32 @!p0 $0x1  }
0x101: {  	_ =	swait.ge @!p0 [sflag:s0], s1  }
0x102: {  	s1 =	ssub.s32 @!p0 $0x0, s1;
	[sflag:s0] =	ssyncset.done @!p0 $0x0  }
0x103: {  	[sflag:s0] =	ssyncadd.s32 @!p0 s1  }
0x104: {  	[bflag:$0x3] =	sbarrier.arrive $0xFFFF  }
0x105: {  	_ =	shalt  }

</sc_bundles>
